<compile_context>
chip_gen: v7x
topology: tpu7x:2x2x1
jax: 0.10.2.dev20260603
libtpu: 0.0.44.dev20260713+nightly
codegen_flags: <defaults>
</compile_context>

<pallas_src>
import functools

import jax
import jax.numpy as jnp
from jax import lax
from jax.experimental import pallas as pl
from jax.experimental.pallas import tpu as pltpu
from jax.experimental.pallas import tpu_sc as plsc

VOCAB = 1000
D = 1000
SEQ = 50
BATCH = 1024
NC = 2
NS = 16
NW = NC * NS

NBLK_TOTAL = D // 8
NBUF = 5
LANES = 16


def _gather_body(xt_hbm, tablet_hbm, out_hbm, xt_v, rows_v, staging_v, sem,
                 lsem):
    w = lax.axis_index("s") * NC + lax.axis_index("c")
    nblk = jnp.where(w < NBLK_TOTAL - 96, 4, 3)

    pltpu.make_async_copy(xt_hbm, xt_v, lsem).start()

    def load_rows(i, carry):
        d0 = pl.multiple_of(8 * (w + 32 * i), 8)
        pltpu.make_async_copy(tablet_hbm.at[pl.ds(d0, 8)],
                              rows_v.at[pl.ds(pl.multiple_of(8 * i, 8), 8)],
                              lsem).start()
        return carry

    lax.fori_loop(0, nblk, load_rows, 0)

    pltpu.make_async_copy(xt_hbm, xt_v, lsem).wait()

    def drain_rows(i, carry):
        pltpu.make_async_copy(tablet_hbm.at[pl.ds(0, 8)],
                              rows_v.at[pl.ds(0, 8)], lsem).wait()
        return carry

    lax.fori_loop(0, nblk, drain_rows, 0)

    def item(t, i, k):
        q = lax.rem(k, NBUF)
        q8 = pl.multiple_of(q * 8, 8)
        d0 = pl.multiple_of(8 * (w + 32 * i), 8)
        dst = out_hbm.at[t, pl.ds(d0, 8)]
        src = staging_v.at[pl.ds(q8, 8)]

        @pl.when(k >= NBUF)
        def _():
            pltpu.make_async_copy(src, dst, sem).wait()

        rvecs = [jnp.full((LANES,), 1, jnp.int32) * (8 * i + rr)
                 for rr in range(8)]

        @plsc.parallel_loop(0, BATCH // LANES, unroll=8)
        def jbody(j):
            c16 = pl.multiple_of(LANES * j, LANES)
            idxv = xt_v[t, pl.ds(c16, LANES)]
            for rr in range(8):
                v = plsc.load_gather(rows_v, [rvecs[rr], idxv])
                staging_v[q8 + rr, pl.ds(c16, LANES)] = v
        pltpu.make_async_copy(src, dst, sem).start()
        return k + 1

    def tbody(t, k):
        return lax.fori_loop(0, nblk, functools.partial(item, t), k)

    lax.fori_loop(0, SEQ, tbody, 0)

    def drain(_, carry):
        pltpu.make_async_copy(
            staging_v.at[pl.ds(0, 8)], out_hbm.at[0, pl.ds(0, 8)], sem
        ).wait()
        return carry

    lax.fori_loop(0, NBUF, drain, 0)


def _gather(xt, tablet):
    mesh = plsc.VectorSubcoreMesh(
        core_axis_name="c", subcore_axis_name="s", num_cores=NC,
        num_subcores=NS,
    )
    run = pl.kernel(
        _gather_body,
        out_type=jax.ShapeDtypeStruct((SEQ, D, BATCH), jnp.float32),
        mesh=mesh,
        compiler_params=pltpu.CompilerParams(needs_layout_passes=False),
        scratch_types=[
            pltpu.VMEM((SEQ, BATCH), jnp.int32),
            pltpu.VMEM((32, VOCAB), jnp.float32),
            pltpu.VMEM((NBUF * 8, BATCH), jnp.float32),
            pltpu.SemaphoreType.DMA,
            pltpu.SemaphoreType.DMA,
        ],
    )
    return run(xt, tablet)


def kernel(x, table):
    xt = x.T
    tablet = table.T
    out_t = _gather(xt, tablet)
    return jnp.transpose(out_t, (2, 0, 1))

# --- scband reference (transcript-rebuilt; emitter-appended) ---
"""Pipeline reference for scband-bigram-language-model-5076651343877 (READ-ONLY COPY).

The authoritative reference and input builder live on the scoring server;
editing this copy changes nothing except your own understanding.
"""

import jax, jax.numpy as jnp
import numpy as np

VOCAB = 1000
BATCH = 1024
SEQ = 50


def setup_inputs(seed: int = 0) -> dict:
    key = jax.random.key(seed)
    k1, k2 = jax.random.split(key)
    x = jax.random.randint(k1, (BATCH, SEQ), 0, VOCAB, dtype=jnp.int32)
    # nn.Embedding default init: N(0, 1)
    table = jax.random.normal(k2, (VOCAB, VOCAB), dtype=jnp.float32)
    return {"x": x, "table": table}


def reference(x, table):
    # forward with y=None: logits = token_embedding_table(x); loss = None
    logits = jnp.take(table, x, axis=0)
    return logits

if __name__ == "__main__":
    import jax
    _d = setup_inputs()
    print(jax.jit(kernel)(*tuple(_d.values())))

</pallas_src>

<mosaic_0001>
#map = affine_map<(d0, d1) -> (0, 0)>
#map1 = affine_map<(d0, d1) -> (0, 0, 0)>
module attributes {stable_mosaic.version = 14 : i64} {
  func.func @_gather_body(%arg0: i32, %arg1: i32, %arg2: memref<50x1024xi32, #tpu.memory_space<hbm>>, %arg3: memref<1000x1000xf32, #tpu.memory_space<hbm>>, %arg4: memref<50x1000x1024xf32, #tpu.memory_space<hbm>>, %arg5: memref<50x1024xi32, #tpu.memory_space<vmem>>, %arg6: memref<32x1000xf32, #tpu.memory_space<vmem>>, %arg7: memref<40x1024xf32, #tpu.memory_space<vmem>>, %arg8: memref<!tpu.dma_semaphore, #tpu.memory_space<semaphore_mem>>, %arg9: memref<!tpu.dma_semaphore, #tpu.memory_space<semaphore_mem>>) attributes {dimension_semantics = [#tpu.dimension_semantics<core_parallel>, #tpu.dimension_semantics<subcore_parallel>], iteration_bounds = array<i64: 2, 16>, scalar_prefetch = 0 : i64, scratch_operands = 5 : i64, tpu.core_type = #tpu.core_type<sc_vector_subcore>, window_params = [{transform_indices = #map}, {transform_indices = #map}, {transform_indices = #map1}]} {
    %mul3A = arith.constant 2 : i32
    %mul3A_0 = arith.muli %arg1, %mul3A : i32
    %add3A = arith.addi %mul3A_0, %arg0 : i32
    %lt3A = arith.constant 29 : i32
    %lt3A_1 = arith.cmpi slt, %add3A, %lt3A : i32
    %jit3A = arith.constant 4 : i32
    %jit3A_2 = arith.constant 3 : i32
    %select_n3A = arith.select %lt3A_1, %jit3A, %jit3A_2 : i32
    tpu.enqueue_dma source(%arg2 : memref<50x1024xi32, #tpu.memory_space<hbm>>) target(%arg5 : memref<50x1024xi32, #tpu.memory_space<vmem>>) target_semaphore(%arg9 : memref<!tpu.dma_semaphore, #tpu.memory_space<semaphore_mem>>)
    %while3A = arith.constant 0 : i32
    %while3A_3 = arith.constant 0 : i32
    %while3A_4 = arith.subi %select_n3A, %while3A_3 : i32
    %while3A_5 = arith.addi %while3A_3, %while3A_4 : i32
    %while3A_6 = arith.constant 1 : i32
    %while3A_7 = arith.divsi %while3A_4, %while3A_6 : i32
    %while3A_8 = arith.muli %while3A_7, %while3A_6 : i32
    %while3A_9 = arith.addi %while3A_3, %while3A_8 : i32
    %while3A_10 = arith.constant 1 : i32
    scf.for %while3A_34 = %while3A_3 to %while3A_9 step %while3A_10  : i32 {
      %mul3A_35 = arith.constant 32 : i32
      %mul3A_36 = arith.muli %mul3A_35, %while3A_34 : i32
      %add3A_37 = arith.addi %add3A, %mul3A_36 : i32
      %mul3A_38 = arith.constant 8 : i32
      %mul3A_39 = arith.muli %mul3A_38, %add3A_37 : i32
      %multiple_of3A = tpu.assume_multiple %mul3A_39, 8 : i32
      %mul3A_40 = arith.constant 8 : i32
      %mul3A_41 = arith.muli %mul3A_40, %while3A_34 : i32
      %multiple_of3A_42 = tpu.assume_multiple %mul3A_41, 8 : i32
      %dma_start3A = arith.constant 0 : i32
      %dma_start3A_43 = tpu.memref_slice %arg6[%multiple_of3A_42, %dma_start3A] : memref<32x1000xf32, #tpu.memory_space<vmem>> -> memref<8x1000xf32, #tpu.memory_space<vmem>>
      %dma_start3A_44 = arith.constant 0 : i32
      %dma_start3A_45 = tpu.memref_slice %arg3[%multiple_of3A, %dma_start3A_44] : memref<1000x1000xf32, #tpu.memory_space<hbm>> -> memref<8x1000xf32, #tpu.memory_space<hbm>>
      %dma_start3A_46 = arith.constant 0 : i32
      %dma_start3A_47 = tpu.memref_slice %arg6[%multiple_of3A_42, %dma_start3A_46] : memref<32x1000xf32, #tpu.memory_space<vmem>> -> memref<8x1000xf32, #tpu.memory_space<vmem>>
      %dma_start3A_48 = arith.constant 0 : i32
      %dma_start3A_49 = tpu.memref_slice %arg3[%multiple_of3A, %dma_start3A_48] : memref<1000x1000xf32, #tpu.memory_space<hbm>> -> memref<8x1000xf32, #tpu.memory_space<hbm>>
      tpu.enqueue_dma source(%dma_start3A_49 : memref<8x1000xf32, #tpu.memory_space<hbm>>) target(%dma_start3A_47 : memref<8x1000xf32, #tpu.memory_space<vmem>>) target_semaphore(%arg9 : memref<!tpu.dma_semaphore, #tpu.memory_space<semaphore_mem>>)
    }
    %while3A_11 = arith.constant 1 : i32
    scf.for %while3A_34 = %while3A_9 to %while3A_5 step %while3A_11  : i32 {
      %mul3A_35 = arith.constant 32 : i32
      %mul3A_36 = arith.muli %mul3A_35, %while3A_34 : i32
      %add3A_37 = arith.addi %add3A, %mul3A_36 : i32
      %mul3A_38 = arith.constant 8 : i32
      %mul3A_39 = arith.muli %mul3A_38, %add3A_37 : i32
      %multiple_of3A = tpu.assume_multiple %mul3A_39, 8 : i32
      %mul3A_40 = arith.constant 8 : i32
      %mul3A_41 = arith.muli %mul3A_40, %while3A_34 : i32
      %multiple_of3A_42 = tpu.assume_multiple %mul3A_41, 8 : i32
      %dma_start3A = arith.constant 0 : i32
      %dma_start3A_43 = tpu.memref_slice %arg6[%multiple_of3A_42, %dma_start3A] : memref<32x1000xf32, #tpu.memory_space<vmem>> -> memref<8x1000xf32, #tpu.memory_space<vmem>>
      %dma_start3A_44 = arith.constant 0 : i32
      %dma_start3A_45 = tpu.memref_slice %arg3[%multiple_of3A, %dma_start3A_44] : memref<1000x1000xf32, #tpu.memory_space<hbm>> -> memref<8x1000xf32, #tpu.memory_space<hbm>>
      %dma_start3A_46 = arith.constant 0 : i32
      %dma_start3A_47 = tpu.memref_slice %arg6[%multiple_of3A_42, %dma_start3A_46] : memref<32x1000xf32, #tpu.memory_space<vmem>> -> memref<8x1000xf32, #tpu.memory_space<vmem>>
      %dma_start3A_48 = arith.constant 0 : i32
      %dma_start3A_49 = tpu.memref_slice %arg3[%multiple_of3A, %dma_start3A_48] : memref<1000x1000xf32, #tpu.memory_space<hbm>> -> memref<8x1000xf32, #tpu.memory_space<hbm>>
      tpu.enqueue_dma source(%dma_start3A_49 : memref<8x1000xf32, #tpu.memory_space<hbm>>) target(%dma_start3A_47 : memref<8x1000xf32, #tpu.memory_space<vmem>>) target_semaphore(%arg9 : memref<!tpu.dma_semaphore, #tpu.memory_space<semaphore_mem>>)
    }
    tpu.wait_dma2 semaphore(%arg9 : memref<!tpu.dma_semaphore, #tpu.memory_space<semaphore_mem>>) src(%arg2 : memref<50x1024xi32, #tpu.memory_space<hbm>>) dst(%arg5 : memref<50x1024xi32, #tpu.memory_space<vmem>>)
    %while3A_12 = arith.constant 0 : i32
    %while3A_13 = arith.constant 0 : i32
    %while3A_14 = arith.subi %select_n3A, %while3A_13 : i32
    %while3A_15 = arith.addi %while3A_13, %while3A_14 : i32
    %while3A_16 = arith.constant 1 : i32
    %while3A_17 = arith.divsi %while3A_14, %while3A_16 : i32
    %while3A_18 = arith.muli %while3A_17, %while3A_16 : i32
    %while3A_19 = arith.addi %while3A_13, %while3A_18 : i32
    %while3A_20 = arith.constant 1 : i32
    scf.for %while3A_34 = %while3A_13 to %while3A_19 step %while3A_20  : i32 {
      %dma_wait3A = arith.constant 0 : i32
      %dma_wait3A_35 = arith.constant 0 : i32
      %dma_wait3A_36 = tpu.memref_slice %arg6[%dma_wait3A, %dma_wait3A_35] : memref<32x1000xf32, #tpu.memory_space<vmem>> -> memref<8x1000xf32, #tpu.memory_space<vmem>>
      %dma_wait3A_37 = arith.constant 0 : i32
      %dma_wait3A_38 = arith.constant 0 : i32
      %dma_wait3A_39 = tpu.memref_slice %arg3[%dma_wait3A_37, %dma_wait3A_38] : memref<1000x1000xf32, #tpu.memory_space<hbm>> -> memref<8x1000xf32, #tpu.memory_space<hbm>>
      %dma_wait3A_40 = arith.constant 0 : i32
      %dma_wait3A_41 = arith.constant 0 : i32
      %dma_wait3A_42 = tpu.memref_slice %arg6[%dma_wait3A_40, %dma_wait3A_41] : memref<32x1000xf32, #tpu.memory_space<vmem>> -> memref<8x1000xf32, #tpu.memory_space<vmem>>
      %dma_wait3A_43 = arith.constant 0 : i32
      %dma_wait3A_44 = arith.constant 0 : i32
      %dma_wait3A_45 = tpu.memref_slice %arg3[%dma_wait3A_43, %dma_wait3A_44] : memref<1000x1000xf32, #tpu.memory_space<hbm>> -> memref<8x1000xf32, #tpu.memory_space<hbm>>
      tpu.wait_dma2 semaphore(%arg9 : memref<!tpu.dma_semaphore, #tpu.memory_space<semaphore_mem>>) src(%dma_wait3A_45 : memref<8x1000xf32, #tpu.memory_space<hbm>>) dst(%dma_wait3A_42 : memref<8x1000xf32, #tpu.memory_space<vmem>>)
    }
    %while3A_21 = arith.constant 1 : i32
    scf.for %while3A_34 = %while3A_19 to %while3A_15 step %while3A_21  : i32 {
      %dma_wait3A = arith.constant 0 : i32
      %dma_wait3A_35 = arith.constant 0 : i32
      %dma_wait3A_36 = tpu.memref_slice %arg6[%dma_wait3A, %dma_wait3A_35] : memref<32x1000xf32, #tpu.memory_space<vmem>> -> memref<8x1000xf32, #tpu.memory_space<vmem>>
      %dma_wait3A_37 = arith.constant 0 : i32
      %dma_wait3A_38 = arith.constant 0 : i32
      %dma_wait3A_39 = tpu.memref_slice %arg3[%dma_wait3A_37, %dma_wait3A_38] : memref<1000x1000xf32, #tpu.memory_space<hbm>> -> memref<8x1000xf32, #tpu.memory_space<hbm>>
      %dma_wait3A_40 = arith.constant 0 : i32
      %dma_wait3A_41 = arith.constant 0 : i32
      %dma_wait3A_42 = tpu.memref_slice %arg6[%dma_wait3A_40, %dma_wait3A_41] : memref<32x1000xf32, #tpu.memory_space<vmem>> -> memref<8x1000xf32, #tpu.memory_space<vmem>>
      %dma_wait3A_43 = arith.constant 0 : i32
      %dma_wait3A_44 = arith.constant 0 : i32
      %dma_wait3A_45 = tpu.memref_slice %arg3[%dma_wait3A_43, %dma_wait3A_44] : memref<1000x1000xf32, #tpu.memory_space<hbm>> -> memref<8x1000xf32, #tpu.memory_space<hbm>>
      tpu.wait_dma2 semaphore(%arg9 : memref<!tpu.dma_semaphore, #tpu.memory_space<semaphore_mem>>) src(%dma_wait3A_45 : memref<8x1000xf32, #tpu.memory_space<hbm>>) dst(%dma_wait3A_42 : memref<8x1000xf32, #tpu.memory_space<vmem>>)
    }
    %scan3A = arith.constant 0 : i32
    %scan3A_22 = arith.constant 0 : i32
    %scan3A_23 = arith.constant 50 : i32
    %scan3A_24 = arith.addi %scan3A_22, %scan3A_23 : i32
    %scan3A_25 = arith.constant 1 : i32
    %scan3A_26 = scf.for %scan3A_34 = %scan3A_22 to %scan3A_24 step %scan3A_25 iter_args(%scan3A_35 = %scan3A) -> (i32)  : i32 {
      %while3A_36 = arith.constant 0 : i32
      %while3A_37 = arith.subi %select_n3A, %while3A_36 : i32
      %while3A_38 = arith.addi %while3A_36, %while3A_37 : i32
      %while3A_39 = arith.constant 1 : i32
      %while3A_40 = arith.divsi %while3A_37, %while3A_39 : i32
      %while3A_41 = arith.muli %while3A_40, %while3A_39 : i32
      %while3A_42 = arith.addi %while3A_36, %while3A_41 : i32
      %while3A_43 = arith.constant 1 : i32
      %while3A_44 = scf.for %while3A_47 = %while3A_36 to %while3A_42 step %while3A_43 iter_args(%while3A_48 = %scan3A_35) -> (i32)  : i32 {
        %rem3A = arith.constant 5 : i32
        %rem3A_49 = arith.remsi %while3A_48, %rem3A : i32
        %mul3A_50 = arith.constant 8 : i32
        %mul3A_51 = arith.muli %rem3A_49, %mul3A_50 : i32
        %multiple_of3A = tpu.assume_multiple %mul3A_51, 8 : i32
        %mul3A_52 = arith.constant 32 : i32
        %mul3A_53 = arith.muli %mul3A_52, %while3A_47 : i32
        %add3A_54 = arith.addi %add3A, %mul3A_53 : i32
        %mul3A_55 = arith.constant 8 : i32
        %mul3A_56 = arith.muli %mul3A_55, %add3A_54 : i32
        %multiple_of3A_57 = tpu.assume_multiple %mul3A_56, 8 : i32
        %ge3A = arith.constant 5 : i32
        %ge3A_58 = arith.cmpi sge, %while3A_48, %ge3A : i32
        %convert_element_type3A = arith.extui %ge3A_58 : i1 to i32
        %cond3A = arith.constant 0 : i32
        %cond3A_59 = arith.cmpi ne, %convert_element_type3A, %cond3A : i32
        scf.if %cond3A_59 {
          %dma_wait3A = arith.constant 0 : i32
          %dma_wait3A_136 = tpu.memref_slice %arg7[%multiple_of3A, %dma_wait3A] : memref<40x1024xf32, #tpu.memory_space<vmem>> -> memref<8x1024xf32, #tpu.memory_space<vmem>>
          %dma_wait3A_137 = arith.constant 0 : i32
          %dma_wait3A_138 = tpu.memref_slice %arg4[%scan3A_34, %multiple_of3A_57, %dma_wait3A_137] : memref<50x1000x1024xf32, #tpu.memory_space<hbm>> -> memref<1x8x1024xf32, #tpu.memory_space<hbm>>
          %dma_wait3A_139 = tpu.memref_squeeze %dma_wait3A_138 : memref<1x8x1024xf32, #tpu.memory_space<hbm>> -> memref<8x1024xf32, #tpu.memory_space<hbm>>
          %dma_wait3A_140 = arith.constant 0 : i32
          %dma_wait3A_141 = tpu.memref_slice %arg4[%scan3A_34, %multiple_of3A_57, %dma_wait3A_140] : memref<50x1000x1024xf32, #tpu.memory_space<hbm>> -> memref<1x8x1024xf32, #tpu.memory_space<hbm>>
          %dma_wait3A_142 = tpu.memref_squeeze %dma_wait3A_141 : memref<1x8x1024xf32, #tpu.memory_space<hbm>> -> memref<8x1024xf32, #tpu.memory_space<hbm>>
          %dma_wait3A_143 = arith.constant 0 : i32
          %dma_wait3A_144 = tpu.memref_slice %arg7[%multiple_of3A, %dma_wait3A_143] : memref<40x1024xf32, #tpu.memory_space<vmem>> -> memref<8x1024xf32, #tpu.memory_space<vmem>>
          tpu.wait_dma2 semaphore(%arg8 : memref<!tpu.dma_semaphore, #tpu.memory_space<semaphore_mem>>) src(%dma_wait3A_144 : memref<8x1024xf32, #tpu.memory_space<vmem>>) dst(%dma_wait3A_142 : memref<8x1024xf32, #tpu.memory_space<hbm>>)
        } else {
        }
        %broadcast_in_dim3A = arith.constant 1 : i32
        %broadcast_in_dim3A_60 = vector.broadcast %broadcast_in_dim3A : i32 to vector<16xi32>
        %mul3A_61 = arith.constant 8 : i32
        %mul3A_62 = arith.muli %mul3A_61, %while3A_47 : i32
        %add3A_63 = arith.constant 0 : i32
        %add3A_64 = arith.addi %mul3A_62, %add3A_63 : i32
        %mul3A_65 = vector.broadcast %add3A_64 : i32 to vector<16xi32>
        %mul3A_66 = arith.muli %broadcast_in_dim3A_60, %mul3A_65 : vector<16xi32>
        %broadcast_in_dim3A_67 = arith.constant 1 : i32
        %broadcast_in_dim3A_68 = vector.broadcast %broadcast_in_dim3A_67 : i32 to vector<16xi32>
        %mul3A_69 = arith.constant 8 : i32
        %mul3A_70 = arith.muli %mul3A_69, %while3A_47 : i32
        %add3A_71 = arith.constant 1 : i32
        %add3A_72 = arith.addi %mul3A_70, %add3A_71 : i32
        %mul3A_73 = vector.broadcast %add3A_72 : i32 to vector<16xi32>
        %mul3A_74 = arith.muli %broadcast_in_dim3A_68, %mul3A_73 : vector<16xi32>
        %broadcast_in_dim3A_75 = arith.constant 1 : i32
        %broadcast_in_dim3A_76 = vector.broadcast %broadcast_in_dim3A_75 : i32 to vector<16xi32>
        %mul3A_77 = arith.constant 8 : i32
        %mul3A_78 = arith.muli %mul3A_77, %while3A_47 : i32
        %add3A_79 = arith.constant 2 : i32
        %add3A_80 = arith.addi %mul3A_78, %add3A_79 : i32
        %mul3A_81 = vector.broadcast %add3A_80 : i32 to vector<16xi32>
        %mul3A_82 = arith.muli %broadcast_in_dim3A_76, %mul3A_81 : vector<16xi32>
        %broadcast_in_dim3A_83 = arith.constant 1 : i32
        %broadcast_in_dim3A_84 = vector.broadcast %broadcast_in_dim3A_83 : i32 to vector<16xi32>
        %mul3A_85 = arith.constant 8 : i32
        %mul3A_86 = arith.muli %mul3A_85, %while3A_47 : i32
        %add3A_87 = arith.constant 3 : i32
        %add3A_88 = arith.addi %mul3A_86, %add3A_87 : i32
        %mul3A_89 = vector.broadcast %add3A_88 : i32 to vector<16xi32>
        %mul3A_90 = arith.muli %broadcast_in_dim3A_84, %mul3A_89 : vector<16xi32>
        %broadcast_in_dim3A_91 = arith.constant 1 : i32
        %broadcast_in_dim3A_92 = vector.broadcast %broadcast_in_dim3A_91 : i32 to vector<16xi32>
        %mul3A_93 = arith.constant 8 : i32
        %mul3A_94 = arith.muli %mul3A_93, %while3A_47 : i32
        %add3A_95 = arith.constant 4 : i32
        %add3A_96 = arith.addi %mul3A_94, %add3A_95 : i32
        %mul3A_97 = vector.broadcast %add3A_96 : i32 to vector<16xi32>
        %mul3A_98 = arith.muli %broadcast_in_dim3A_92, %mul3A_97 : vector<16xi32>
        %broadcast_in_dim3A_99 = arith.constant 1 : i32
        %broadcast_in_dim3A_100 = vector.broadcast %broadcast_in_dim3A_99 : i32 to vector<16xi32>
        %mul3A_101 = arith.constant 8 : i32
        %mul3A_102 = arith.muli %mul3A_101, %while3A_47 : i32
        %add3A_103 = arith.constant 5 : i32
        %add3A_104 = arith.addi %mul3A_102, %add3A_103 : i32
        %mul3A_105 = vector.broadcast %add3A_104 : i32 to vector<16xi32>
        %mul3A_106 = arith.muli %broadcast_in_dim3A_100, %mul3A_105 : vector<16xi32>
        %broadcast_in_dim3A_107 = arith.constant 1 : i32
        %broadcast_in_dim3A_108 = vector.broadcast %broadcast_in_dim3A_107 : i32 to vector<16xi32>
        %mul3A_109 = arith.constant 8 : i32
        %mul3A_110 = arith.muli %mul3A_109, %while3A_47 : i32
        %add3A_111 = arith.constant 6 : i32
        %add3A_112 = arith.addi %mul3A_110, %add3A_111 : i32
        %mul3A_113 = vector.broadcast %add3A_112 : i32 to vector<16xi32>
        %mul3A_114 = arith.muli %broadcast_in_dim3A_108, %mul3A_113 : vector<16xi32>
        %broadcast_in_dim3A_115 = arith.constant 1 : i32
        %broadcast_in_dim3A_116 = vector.broadcast %broadcast_in_dim3A_115 : i32 to vector<16xi32>
        %mul3A_117 = arith.constant 8 : i32
        %mul3A_118 = arith.muli %mul3A_117, %while3A_47 : i32
        %add3A_119 = arith.constant 7 : i32
        %add3A_120 = arith.addi %mul3A_118, %add3A_119 : i32
        %mul3A_121 = vector.broadcast %add3A_120 : i32 to vector<16xi32>
        %mul3A_122 = arith.muli %broadcast_in_dim3A_116, %mul3A_121 : vector<16xi32>
        %parallel_loop3A = arith.constant 0 : i32
        %parallel_loop3A_123 = arith.constant 64 : i32
        %parallel_loop3A_124 = arith.constant 1 : i32
        scf.for %parallel_loop3A_136 = %parallel_loop3A to %parallel_loop3A_123 step %parallel_loop3A_124  : i32 {
          %parallel_loop3A_137 = arith.constant 16 : i32
          %parallel_loop3A_138 = arith.muli %parallel_loop3A_137, %parallel_loop3A_136 : i32
          %parallel_loop3A_139 = tpu.assume_multiple %parallel_loop3A_138, 16 : i32
          %parallel_loop3A_140 = arith.index_cast %scan3A_34 : i32 to index
          %parallel_loop3A_141 = arith.index_cast %parallel_loop3A_139 : i32 to index
          %parallel_loop3A_142 = tpu.vector_load %arg5[%parallel_loop3A_140, %parallel_loop3A_141] {strides = array<i32>} : memref<50x1024xi32, #tpu.memory_space<vmem>>, vector<16xi32>,
          %parallel_loop3A_143 = tpu.vector_load_idx %arg6[%mul3A_66, %parallel_loop3A_142] : memref<32x1000xf32, #tpu.memory_space<vmem>>[vector<16xi32>, vector<16xi32>], vector<16xf32>,
          %parallel_loop3A_144 = arith.constant 0 : i32
          %parallel_loop3A_145 = arith.addi %multiple_of3A, %parallel_loop3A_144 : i32
          %parallel_loop3A_146 = arith.index_cast %parallel_loop3A_145 : i32 to index
          %parallel_loop3A_147 = arith.index_cast %parallel_loop3A_139 : i32 to index
          %parallel_loop3A_148 = tpu.vector_load %arg7[%parallel_loop3A_146, %parallel_loop3A_147] {strides = array<i32>} : memref<40x1024xf32, #tpu.memory_space<vmem>>, vector<16xf32>,
          tpu.vector_store %arg7[%parallel_loop3A_146, %parallel_loop3A_147], %parallel_loop3A_143 {strides = array<i32>} : memref<40x1024xf32, #tpu.memory_space<vmem>>, vector<16xf32>,
          %parallel_loop3A_149 = tpu.vector_load_idx %arg6[%mul3A_74, %parallel_loop3A_142] : memref<32x1000xf32, #tpu.memory_space<vmem>>[vector<16xi32>, vector<16xi32>], vector<16xf32>,
          %parallel_loop3A_150 = arith.constant 1 : i32
          %parallel_loop3A_151 = arith.addi %multiple_of3A, %parallel_loop3A_150 : i32
          %parallel_loop3A_152 = arith.index_cast %parallel_loop3A_151 : i32 to index
          %parallel_loop3A_153 = arith.index_cast %parallel_loop3A_139 : i32 to index
          %parallel_loop3A_154 = tpu.vector_load %arg7[%parallel_loop3A_152, %parallel_loop3A_153] {strides = array<i32>} : memref<40x1024xf32, #tpu.memory_space<vmem>>, vector<16xf32>,
          tpu.vector_store %arg7[%parallel_loop3A_152, %parallel_loop3A_153], %parallel_loop3A_149 {strides = array<i32>} : memref<40x1024xf32, #tpu.memory_space<vmem>>, vector<16xf32>,
          %parallel_loop3A_155 = tpu.vector_load_idx %arg6[%mul3A_82, %parallel_loop3A_142] : memref<32x1000xf32, #tpu.memory_space<vmem>>[vector<16xi32>, vector<16xi32>], vector<16xf32>,
          %parallel_loop3A_156 = arith.constant 2 : i32
          %parallel_loop3A_157 = arith.addi %multiple_of3A, %parallel_loop3A_156 : i32
          %parallel_loop3A_158 = arith.index_cast %parallel_loop3A_157 : i32 to index
          %parallel_loop3A_159 = arith.index_cast %parallel_loop3A_139 : i32 to index
          %parallel_loop3A_160 = tpu.vector_load %arg7[%parallel_loop3A_158, %parallel_loop3A_159] {strides = array<i32>} : memref<40x1024xf32, #tpu.memory_space<vmem>>, vector<16xf32>,
          tpu.vector_store %arg7[%parallel_loop3A_158, %parallel_loop3A_159], %parallel_loop3A_155 {strides = array<i32>} : memref<40x1024xf32, #tpu.memory_space<vmem>>, vector<16xf32>,
          %parallel_loop3A_161 = tpu.vector_load_idx %arg6[%mul3A_90, %parallel_loop3A_142] : memref<32x1000xf32, #tpu.memory_space<vmem>>[vector<16xi32>, vector<16xi32>], vector<16xf32>,
          %parallel_loop3A_162 = arith.constant 3 : i32
          %parallel_loop3A_163 = arith.addi %multiple_of3A, %parallel_loop3A_162 : i32
          %parallel_loop3A_164 = arith.index_cast %parallel_loop3A_163 : i32 to index
          %parallel_loop3A_165 = arith.index_cast %parallel_loop3A_139 : i32 to index
          %parallel_loop3A_166 = tpu.vector_load %arg7[%parallel_loop3A_164, %parallel_loop3A_165] {strides = array<i32>} : memref<40x1024xf32, #tpu.memory_space<vmem>>, vector<16xf32>,
          tpu.vector_store %arg7[%parallel_loop3A_164, %parallel_loop3A_165], %parallel_loop3A_161 {strides = array<i32>} : memref<40x1024xf32, #tpu.memory_space<vmem>>, vector<16xf32>,
          %parallel_loop3A_167 = tpu.vector_load_idx %arg6[%mul3A_98, %parallel_loop3A_142] : memref<32x1000xf32, #tpu.memory_space<vmem>>[vector<16xi32>, vector<16xi32>], vector<16xf32>,
          %parallel_loop3A_168 = arith.constant 4 : i32
          %parallel_loop3A_169 = arith.addi %multiple_of3A, %parallel_loop3A_168 : i32
          %parallel_loop3A_170 = arith.index_cast %parallel_loop3A_169 : i32 to index
          %parallel_loop3A_171 = arith.index_cast %parallel_loop3A_139 : i32 to index
          %parallel_loop3A_172 = tpu.vector_load %arg7[%parallel_loop3A_170, %parallel_loop3A_171] {strides = array<i32>} : memref<40x1024xf32, #tpu.memory_space<vmem>>, vector<16xf32>,
          tpu.vector_store %arg7[%parallel_loop3A_170, %parallel_loop3A_171], %parallel_loop3A_167 {strides = array<i32>} : memref<40x1024xf32, #tpu.memory_space<vmem>>, vector<16xf32>,
          %parallel_loop3A_173 = tpu.vector_load_idx %arg6[%mul3A_106, %parallel_loop3A_142] : memref<32x1000xf32, #tpu.memory_space<vmem>>[vector<16xi32>, vector<16xi32>], vector<16xf32>,
          %parallel_loop3A_174 = arith.constant 5 : i32
          %parallel_loop3A_175 = arith.addi %multiple_of3A, %parallel_loop3A_174 : i32
          %parallel_loop3A_176 = arith.index_cast %parallel_loop3A_175 : i32 to index
          %parallel_loop3A_177 = arith.index_cast %parallel_loop3A_139 : i32 to index
          %parallel_loop3A_178 = tpu.vector_load %arg7[%parallel_loop3A_176, %parallel_loop3A_177] {strides = array<i32>} : memref<40x1024xf32, #tpu.memory_space<vmem>>, vector<16xf32>,
          tpu.vector_store %arg7[%parallel_loop3A_176, %parallel_loop3A_177], %parallel_loop3A_173 {strides = array<i32>} : memref<40x1024xf32, #tpu.memory_space<vmem>>, vector<16xf32>,
          %parallel_loop3A_179 = tpu.vector_load_idx %arg6[%mul3A_114, %parallel_loop3A_142] : memref<32x1000xf32, #tpu.memory_space<vmem>>[vector<16xi32>, vector<16xi32>], vector<16xf32>,
          %parallel_loop3A_180 = arith.constant 6 : i32
          %parallel_loop3A_181 = arith.addi %multiple_of3A, %parallel_loop3A_180 : i32
          %parallel_loop3A_182 = arith.index_cast %parallel_loop3A_181 : i32 to index
          %parallel_loop3A_183 = arith.index_cast %parallel_loop3A_139 : i32 to index
          %parallel_loop3A_184 = tpu.vector_load %arg7[%parallel_loop3A_182, %parallel_loop3A_183] {strides = array<i32>} : memref<40x1024xf32, #tpu.memory_space<vmem>>, vector<16xf32>,
          tpu.vector_store %arg7[%parallel_loop3A_182, %parallel_loop3A_183], %parallel_loop3A_179 {strides = array<i32>} : memref<40x1024xf32, #tpu.memory_space<vmem>>, vector<16xf32>,
          %parallel_loop3A_185 = tpu.vector_load_idx %arg6[%mul3A_122, %parallel_loop3A_142] : memref<32x1000xf32, #tpu.memory_space<vmem>>[vector<16xi32>, vector<16xi32>], vector<16xf32>,
          %parallel_loop3A_186 = arith.constant 7 : i32
          %parallel_loop3A_187 = arith.addi %multiple_of3A, %parallel_loop3A_186 : i32
          %parallel_loop3A_188 = arith.index_cast %parallel_loop3A_187 : i32 to index
          %parallel_loop3A_189 = arith.index_cast %parallel_loop3A_139 : i32 to index
          %parallel_loop3A_190 = tpu.vector_load %arg7[%parallel_loop3A_188, %parallel_loop3A_189] {strides = array<i32>} : memref<40x1024xf32, #tpu.memory_space<vmem>>, vector<16xf32>,
          tpu.vector_store %arg7[%parallel_loop3A_188, %parallel_loop3A_189], %parallel_loop3A_185 {strides = array<i32>} : memref<40x1024xf32, #tpu.memory_space<vmem>>, vector<16xf32>,
        } {sc.loop_unroll_factor = 8 : i64, sc.parallel_access}
        %dma_start3A = arith.constant 0 : i32
        %dma_start3A_125 = tpu.memref_slice %arg7[%multiple_of3A, %dma_start3A] : memref<40x1024xf32, #tpu.memory_space<vmem>> -> memref<8x1024xf32, #tpu.memory_space<vmem>>
        %dma_start3A_126 = arith.constant 0 : i32
        %dma_start3A_127 = tpu.memref_slice %arg4[%scan3A_34, %multiple_of3A_57, %dma_start3A_126] : memref<50x1000x1024xf32, #tpu.memory_space<hbm>> -> memref<1x8x1024xf32, #tpu.memory_space<hbm>>
        %dma_start3A_128 = tpu.memref_squeeze %dma_start3A_127 : memref<1x8x1024xf32, #tpu.memory_space<hbm>> -> memref<8x1024xf32, #tpu.memory_space<hbm>>
        %dma_start3A_129 = arith.constant 0 : i32
        %dma_start3A_130 = tpu.memref_slice %arg4[%scan3A_34, %multiple_of3A_57, %dma_start3A_129] : memref<50x1000x1024xf32, #tpu.memory_space<hbm>> -> memref<1x8x1024xf32, #tpu.memory_space<hbm>>
        %dma_start3A_131 = tpu.memref_squeeze %dma_start3A_130 : memref<1x8x1024xf32, #tpu.memory_space<hbm>> -> memref<8x1024xf32, #tpu.memory_space<hbm>>
        %dma_start3A_132 = arith.constant 0 : i32
        %dma_start3A_133 = tpu.memref_slice %arg7[%multiple_of3A, %dma_start3A_132] : memref<40x1024xf32, #tpu.memory_space<vmem>> -> memref<8x1024xf32, #tpu.memory_space<vmem>>
        tpu.enqueue_dma source(%dma_start3A_133 : memref<8x1024xf32, #tpu.memory_space<vmem>>) target(%dma_start3A_131 : memref<8x1024xf32, #tpu.memory_space<hbm>>) target_semaphore(%arg8 : memref<!tpu.dma_semaphore, #tpu.memory_space<semaphore_mem>>)
        %add3A_134 = arith.constant 1 : i32
        %add3A_135 = arith.addi %while3A_48, %add3A_134 : i32
        scf.yield %add3A_135 : i32
      }
      %while3A_45 = arith.constant 1 : i32
      %while3A_46 = scf.for %while3A_47 = %while3A_42 to %while3A_38 step %while3A_45 iter_args(%while3A_48 = %while3A_44) -> (i32)  : i32 {
        %rem3A = arith.constant 5 : i32
        %rem3A_49 = arith.remsi %while3A_48, %rem3A : i32
        %mul3A_50 = arith.constant 8 : i32
        %mul3A_51 = arith.muli %rem3A_49, %mul3A_50 : i32
        %multiple_of3A = tpu.assume_multiple %mul3A_51, 8 : i32
        %mul3A_52 = arith.constant 32 : i32
        %mul3A_53 = arith.muli %mul3A_52, %while3A_47 : i32
        %add3A_54 = arith.addi %add3A, %mul3A_53 : i32
        %mul3A_55 = arith.constant 8 : i32
        %mul3A_56 = arith.muli %mul3A_55, %add3A_54 : i32
        %multiple_of3A_57 = tpu.assume_multiple %mul3A_56, 8 : i32
        %ge3A = arith.constant 5 : i32
        %ge3A_58 = arith.cmpi sge, %while3A_48, %ge3A : i32
        %convert_element_type3A = arith.extui %ge3A_58 : i1 to i32
        %cond3A = arith.constant 0 : i32
        %cond3A_59 = arith.cmpi ne, %convert_element_type3A, %cond3A : i32
        scf.if %cond3A_59 {
          %dma_wait3A = arith.constant 0 : i32
          %dma_wait3A_136 = tpu.memref_slice %arg7[%multiple_of3A, %dma_wait3A] : memref<40x1024xf32, #tpu.memory_space<vmem>> -> memref<8x1024xf32, #tpu.memory_space<vmem>>
          %dma_wait3A_137 = arith.constant 0 : i32
          %dma_wait3A_138 = tpu.memref_slice %arg4[%scan3A_34, %multiple_of3A_57, %dma_wait3A_137] : memref<50x1000x1024xf32, #tpu.memory_space<hbm>> -> memref<1x8x1024xf32, #tpu.memory_space<hbm>>
          %dma_wait3A_139 = tpu.memref_squeeze %dma_wait3A_138 : memref<1x8x1024xf32, #tpu.memory_space<hbm>> -> memref<8x1024xf32, #tpu.memory_space<hbm>>
          %dma_wait3A_140 = arith.constant 0 : i32
          %dma_wait3A_141 = tpu.memref_slice %arg4[%scan3A_34, %multiple_of3A_57, %dma_wait3A_140] : memref<50x1000x1024xf32, #tpu.memory_space<hbm>> -> memref<1x8x1024xf32, #tpu.memory_space<hbm>>
          %dma_wait3A_142 = tpu.memref_squeeze %dma_wait3A_141 : memref<1x8x1024xf32, #tpu.memory_space<hbm>> -> memref<8x1024xf32, #tpu.memory_space<hbm>>
          %dma_wait3A_143 = arith.constant 0 : i32
          %dma_wait3A_144 = tpu.memref_slice %arg7[%multiple_of3A, %dma_wait3A_143] : memref<40x1024xf32, #tpu.memory_space<vmem>> -> memref<8x1024xf32, #tpu.memory_space<vmem>>
          tpu.wait_dma2 semaphore(%arg8 : memref<!tpu.dma_semaphore, #tpu.memory_space<semaphore_mem>>) src(%dma_wait3A_144 : memref<8x1024xf32, #tpu.memory_space<vmem>>) dst(%dma_wait3A_142 : memref<8x1024xf32, #tpu.memory_space<hbm>>)
        } else {
        }
        %broadcast_in_dim3A = arith.constant 1 : i32
        %broadcast_in_dim3A_60 = vector.broadcast %broadcast_in_dim3A : i32 to vector<16xi32>
        %mul3A_61 = arith.constant 8 : i32
        %mul3A_62 = arith.muli %mul3A_61, %while3A_47 : i32
        %add3A_63 = arith.constant 0 : i32
        %add3A_64 = arith.addi %mul3A_62, %add3A_63 : i32
        %mul3A_65 = vector.broadcast %add3A_64 : i32 to vector<16xi32>
        %mul3A_66 = arith.muli %broadcast_in_dim3A_60, %mul3A_65 : vector<16xi32>
        %broadcast_in_dim3A_67 = arith.constant 1 : i32
        %broadcast_in_dim3A_68 = vector.broadcast %broadcast_in_dim3A_67 : i32 to vector<16xi32>
        %mul3A_69 = arith.constant 8 : i32
        %mul3A_70 = arith.muli %mul3A_69, %while3A_47 : i32
        %add3A_71 = arith.constant 1 : i32
        %add3A_72 = arith.addi %mul3A_70, %add3A_71 : i32
        %mul3A_73 = vector.broadcast %add3A_72 : i32 to vector<16xi32>
        %mul3A_74 = arith.muli %broadcast_in_dim3A_68, %mul3A_73 : vector<16xi32>
        %broadcast_in_dim3A_75 = arith.constant 1 : i32
        %broadcast_in_dim3A_76 = vector.broadcast %broadcast_in_dim3A_75 : i32 to vector<16xi32>
        %mul3A_77 = arith.constant 8 : i32
        %mul3A_78 = arith.muli %mul3A_77, %while3A_47 : i32
        %add3A_79 = arith.constant 2 : i32
        %add3A_80 = arith.addi %mul3A_78, %add3A_79 : i32
        %mul3A_81 = vector.broadcast %add3A_80 : i32 to vector<16xi32>
        %mul3A_82 = arith.muli %broadcast_in_dim3A_76, %mul3A_81 : vector<16xi32>
        %broadcast_in_dim3A_83 = arith.constant 1 : i32
        %broadcast_in_dim3A_84 = vector.broadcast %broadcast_in_dim3A_83 : i32 to vector<16xi32>
        %mul3A_85 = arith.constant 8 : i32
        %mul3A_86 = arith.muli %mul3A_85, %while3A_47 : i32
        %add3A_87 = arith.constant 3 : i32
        %add3A_88 = arith.addi %mul3A_86, %add3A_87 : i32
        %mul3A_89 = vector.broadcast %add3A_88 : i32 to vector<16xi32>
        %mul3A_90 = arith.muli %broadcast_in_dim3A_84, %mul3A_89 : vector<16xi32>
        %broadcast_in_dim3A_91 = arith.constant 1 : i32
        %broadcast_in_dim3A_92 = vector.broadcast %broadcast_in_dim3A_91 : i32 to vector<16xi32>
        %mul3A_93 = arith.constant 8 : i32
        %mul3A_94 = arith.muli %mul3A_93, %while3A_47 : i32
        %add3A_95 = arith.constant 4 : i32
        %add3A_96 = arith.addi %mul3A_94, %add3A_95 : i32
        %mul3A_97 = vector.broadcast %add3A_96 : i32 to vector<16xi32>
        %mul3A_98 = arith.muli %broadcast_in_dim3A_92, %mul3A_97 : vector<16xi32>
        %broadcast_in_dim3A_99 = arith.constant 1 : i32
        %broadcast_in_dim3A_100 = vector.broadcast %broadcast_in_dim3A_99 : i32 to vector<16xi32>
        %mul3A_101 = arith.constant 8 : i32
        %mul3A_102 = arith.muli %mul3A_101, %while3A_47 : i32
        %add3A_103 = arith.constant 5 : i32
        %add3A_104 = arith.addi %mul3A_102, %add3A_103 : i32
        %mul3A_105 = vector.broadcast %add3A_104 : i32 to vector<16xi32>
        %mul3A_106 = arith.muli %broadcast_in_dim3A_100, %mul3A_105 : vector<16xi32>
        %broadcast_in_dim3A_107 = arith.constant 1 : i32
        %broadcast_in_dim3A_108 = vector.broadcast %broadcast_in_dim3A_107 : i32 to vector<16xi32>
        %mul3A_109 = arith.constant 8 : i32
        %mul3A_110 = arith.muli %mul3A_109, %while3A_47 : i32
        %add3A_111 = arith.constant 6 : i32
        %add3A_112 = arith.addi %mul3A_110, %add3A_111 : i32
        %mul3A_113 = vector.broadcast %add3A_112 : i32 to vector<16xi32>
        %mul3A_114 = arith.muli %broadcast_in_dim3A_108, %mul3A_113 : vector<16xi32>
        %broadcast_in_dim3A_115 = arith.constant 1 : i32
        %broadcast_in_dim3A_116 = vector.broadcast %broadcast_in_dim3A_115 : i32 to vector<16xi32>
        %mul3A_117 = arith.constant 8 : i32
        %mul3A_118 = arith.muli %mul3A_117, %while3A_47 : i32
        %add3A_119 = arith.constant 7 : i32
        %add3A_120 = arith.addi %mul3A_118, %add3A_119 : i32
        %mul3A_121 = vector.broadcast %add3A_120 : i32 to vector<16xi32>
        %mul3A_122 = arith.muli %broadcast_in_dim3A_116, %mul3A_121 : vector<16xi32>
        %parallel_loop3A = arith.constant 0 : i32
        %parallel_loop3A_123 = arith.constant 64 : i32
        %parallel_loop3A_124 = arith.constant 1 : i32
        scf.for %parallel_loop3A_136 = %parallel_loop3A to %parallel_loop3A_123 step %parallel_loop3A_124  : i32 {
          %parallel_loop3A_137 = arith.constant 16 : i32
          %parallel_loop3A_138 = arith.muli %parallel_loop3A_137, %parallel_loop3A_136 : i32
          %parallel_loop3A_139 = tpu.assume_multiple %parallel_loop3A_138, 16 : i32
          %parallel_loop3A_140 = arith.index_cast %scan3A_34 : i32 to index
          %parallel_loop3A_141 = arith.index_cast %parallel_loop3A_139 : i32 to index
          %parallel_loop3A_142 = tpu.vector_load %arg5[%parallel_loop3A_140, %parallel_loop3A_141] {strides = array<i32>} : memref<50x1024xi32, #tpu.memory_space<vmem>>, vector<16xi32>,
          %parallel_loop3A_143 = tpu.vector_load_idx %arg6[%mul3A_66, %parallel_loop3A_142] : memref<32x1000xf32, #tpu.memory_space<vmem>>[vector<16xi32>, vector<16xi32>], vector<16xf32>,
          %parallel_loop3A_144 = arith.constant 0 : i32
          %parallel_loop3A_145 = arith.addi %multiple_of3A, %parallel_loop3A_144 : i32
          %parallel_loop3A_146 = arith.index_cast %parallel_loop3A_145 : i32 to index
          %parallel_loop3A_147 = arith.index_cast %parallel_loop3A_139 : i32 to index
          %parallel_loop3A_148 = tpu.vector_load %arg7[%parallel_loop3A_146, %parallel_loop3A_147] {strides = array<i32>} : memref<40x1024xf32, #tpu.memory_space<vmem>>, vector<16xf32>,
          tpu.vector_store %arg7[%parallel_loop3A_146, %parallel_loop3A_147], %parallel_loop3A_143 {strides = array<i32>} : memref<40x1024xf32, #tpu.memory_space<vmem>>, vector<16xf32>,
          %parallel_loop3A_149 = tpu.vector_load_idx %arg6[%mul3A_74, %parallel_loop3A_142] : memref<32x1000xf32, #tpu.memory_space<vmem>>[vector<16xi32>, vector<16xi32>], vector<16xf32>,
          %parallel_loop3A_150 = arith.constant 1 : i32
          %parallel_loop3A_151 = arith.addi %multiple_of3A, %parallel_loop3A_150 : i32
          %parallel_loop3A_152 = arith.index_cast %parallel_loop3A_151 : i32 to index
          %parallel_loop3A_153 = arith.index_cast %parallel_loop3A_139 : i32 to index
          %parallel_loop3A_154 = tpu.vector_load %arg7[%parallel_loop3A_152, %parallel_loop3A_153] {strides = array<i32>} : memref<40x1024xf32, #tpu.memory_space<vmem>>, vector<16xf32>,
          tpu.vector_store %arg7[%parallel_loop3A_152, %parallel_loop3A_153], %parallel_loop3A_149 {strides = array<i32>} : memref<40x1024xf32, #tpu.memory_space<vmem>>, vector<16xf32>,
          %parallel_loop3A_155 = tpu.vector_load_idx %arg6[%mul3A_82, %parallel_loop3A_142] : memref<32x1000xf32, #tpu.memory_space<vmem>>[vector<16xi32>, vector<16xi32>], vector<16xf32>,
          %parallel_loop3A_156 = arith.constant 2 : i32
          %parallel_loop3A_157 = arith.addi %multiple_of3A, %parallel_loop3A_156 : i32
          %parallel_loop3A_158 = arith.index_cast %parallel_loop3A_157 : i32 to index
          %parallel_loop3A_159 = arith.index_cast %parallel_loop3A_139 : i32 to index
          %parallel_loop3A_160 = tpu.vector_load %arg7[%parallel_loop3A_158, %parallel_loop3A_159] {strides = array<i32>} : memref<40x1024xf32, #tpu.memory_space<vmem>>, vector<16xf32>,
          tpu.vector_store %arg7[%parallel_loop3A_158, %parallel_loop3A_159], %parallel_loop3A_155 {strides = array<i32>} : memref<40x1024xf32, #tpu.memory_space<vmem>>, vector<16xf32>,
          %parallel_loop3A_161 = tpu.vector_load_idx %arg6[%mul3A_90, %parallel_loop3A_142] : memref<32x1000xf32, #tpu.memory_space<vmem>>[vector<16xi32>, vector<16xi32>], vector<16xf32>,
          %parallel_loop3A_162 = arith.constant 3 : i32
          %parallel_loop3A_163 = arith.addi %multiple_of3A, %parallel_loop3A_162 : i32
          %parallel_loop3A_164 = arith.index_cast %parallel_loop3A_163 : i32 to index
          %parallel_loop3A_165 = arith.index_cast %parallel_loop3A_139 : i32 to index
          %parallel_loop3A_166 = tpu.vector_load %arg7[%parallel_loop3A_164, %parallel_loop3A_165] {strides = array<i32>} : memref<40x1024xf32, #tpu.memory_space<vmem>>, vector<16xf32>,
          tpu.vector_store %arg7[%parallel_loop3A_164, %parallel_loop3A_165], %parallel_loop3A_161 {strides = array<i32>} : memref<40x1024xf32, #tpu.memory_space<vmem>>, vector<16xf32>,
          %parallel_loop3A_167 = tpu.vector_load_idx %arg6[%mul3A_98, %parallel_loop3A_142] : memref<32x1000xf32, #tpu.memory_space<vmem>>[vector<16xi32>, vector<16xi32>], vector<16xf32>,
          %parallel_loop3A_168 = arith.constant 4 : i32
          %parallel_loop3A_169 = arith.addi %multiple_of3A, %parallel_loop3A_168 : i32
          %parallel_loop3A_170 = arith.index_cast %parallel_loop3A_169 : i32 to index
          %parallel_loop3A_171 = arith.index_cast %parallel_loop3A_139 : i32 to index
          %parallel_loop3A_172 = tpu.vector_load %arg7[%parallel_loop3A_170, %parallel_loop3A_171] {strides = array<i32>} : memref<40x1024xf32, #tpu.memory_space<vmem>>, vector<16xf32>,
          tpu.vector_store %arg7[%parallel_loop3A_170, %parallel_loop3A_171], %parallel_loop3A_167 {strides = array<i32>} : memref<40x1024xf32, #tpu.memory_space<vmem>>, vector<16xf32>,
          %parallel_loop3A_173 = tpu.vector_load_idx %arg6[%mul3A_106, %parallel_loop3A_142] : memref<32x1000xf32, #tpu.memory_space<vmem>>[vector<16xi32>, vector<16xi32>], vector<16xf32>,
          %parallel_loop3A_174 = arith.constant 5 : i32
          %parallel_loop3A_175 = arith.addi %multiple_of3A, %parallel_loop3A_174 : i32
          %parallel_loop3A_176 = arith.index_cast %parallel_loop3A_175 : i32 to index
          %parallel_loop3A_177 = arith.index_cast %parallel_loop3A_139 : i32 to index
          %parallel_loop3A_178 = tpu.vector_load %arg7[%parallel_loop3A_176, %parallel_loop3A_177] {strides = array<i32>} : memref<40x1024xf32, #tpu.memory_space<vmem>>, vector<16xf32>,
          tpu.vector_store %arg7[%parallel_loop3A_176, %parallel_loop3A_177], %parallel_loop3A_173 {strides = array<i32>} : memref<40x1024xf32, #tpu.memory_space<vmem>>, vector<16xf32>,
          %parallel_loop3A_179 = tpu.vector_load_idx %arg6[%mul3A_114, %parallel_loop3A_142] : memref<32x1000xf32, #tpu.memory_space<vmem>>[vector<16xi32>, vector<16xi32>], vector<16xf32>,
          %parallel_loop3A_180 = arith.constant 6 : i32
          %parallel_loop3A_181 = arith.addi %multiple_of3A, %parallel_loop3A_180 : i32
          %parallel_loop3A_182 = arith.index_cast %parallel_loop3A_181 : i32 to index
          %parallel_loop3A_183 = arith.index_cast %parallel_loop3A_139 : i32 to index
          %parallel_loop3A_184 = tpu.vector_load %arg7[%parallel_loop3A_182, %parallel_loop3A_183] {strides = array<i32>} : memref<40x1024xf32, #tpu.memory_space<vmem>>, vector<16xf32>,
          tpu.vector_store %arg7[%parallel_loop3A_182, %parallel_loop3A_183], %parallel_loop3A_179 {strides = array<i32>} : memref<40x1024xf32, #tpu.memory_space<vmem>>, vector<16xf32>,
          %parallel_loop3A_185 = tpu.vector_load_idx %arg6[%mul3A_122, %parallel_loop3A_142] : memref<32x1000xf32, #tpu.memory_space<vmem>>[vector<16xi32>, vector<16xi32>], vector<16xf32>,
          %parallel_loop3A_186 = arith.constant 7 : i32
          %parallel_loop3A_187 = arith.addi %multiple_of3A, %parallel_loop3A_186 : i32
          %parallel_loop3A_188 = arith.index_cast %parallel_loop3A_187 : i32 to index
          %parallel_loop3A_189 = arith.index_cast %parallel_loop3A_139 : i32 to index
          %parallel_loop3A_190 = tpu.vector_load %arg7[%parallel_loop3A_188, %parallel_loop3A_189] {strides = array<i32>} : memref<40x1024xf32, #tpu.memory_space<vmem>>, vector<16xf32>,
          tpu.vector_store %arg7[%parallel_loop3A_188, %parallel_loop3A_189], %parallel_loop3A_185 {strides = array<i32>} : memref<40x1024xf32, #tpu.memory_space<vmem>>, vector<16xf32>,
        } {sc.loop_unroll_factor = 8 : i64, sc.parallel_access}
        %dma_start3A = arith.constant 0 : i32
        %dma_start3A_125 = tpu.memref_slice %arg7[%multiple_of3A, %dma_start3A] : memref<40x1024xf32, #tpu.memory_space<vmem>> -> memref<8x1024xf32, #tpu.memory_space<vmem>>
        %dma_start3A_126 = arith.constant 0 : i32
        %dma_start3A_127 = tpu.memref_slice %arg4[%scan3A_34, %multiple_of3A_57, %dma_start3A_126] : memref<50x1000x1024xf32, #tpu.memory_space<hbm>> -> memref<1x8x1024xf32, #tpu.memory_space<hbm>>
        %dma_start3A_128 = tpu.memref_squeeze %dma_start3A_127 : memref<1x8x1024xf32, #tpu.memory_space<hbm>> -> memref<8x1024xf32, #tpu.memory_space<hbm>>
        %dma_start3A_129 = arith.constant 0 : i32
        %dma_start3A_130 = tpu.memref_slice %arg4[%scan3A_34, %multiple_of3A_57, %dma_start3A_129] : memref<50x1000x1024xf32, #tpu.memory_space<hbm>> -> memref<1x8x1024xf32, #tpu.memory_space<hbm>>
        %dma_start3A_131 = tpu.memref_squeeze %dma_start3A_130 : memref<1x8x1024xf32, #tpu.memory_space<hbm>> -> memref<8x1024xf32, #tpu.memory_space<hbm>>
        %dma_start3A_132 = arith.constant 0 : i32
        %dma_start3A_133 = tpu.memref_slice %arg7[%multiple_of3A, %dma_start3A_132] : memref<40x1024xf32, #tpu.memory_space<vmem>> -> memref<8x1024xf32, #tpu.memory_space<vmem>>
        tpu.enqueue_dma source(%dma_start3A_133 : memref<8x1024xf32, #tpu.memory_space<vmem>>) target(%dma_start3A_131 : memref<8x1024xf32, #tpu.memory_space<hbm>>) target_semaphore(%arg8 : memref<!tpu.dma_semaphore, #tpu.memory_space<semaphore_mem>>)
        %add3A_134 = arith.constant 1 : i32
        %add3A_135 = arith.addi %while3A_48, %add3A_134 : i32
        scf.yield %add3A_135 : i32
      }
      scf.yield %while3A_46 : i32
    }
    %scan3A_27 = arith.constant 50 : i32
    %scan3A_28 = arith.constant 0 : i32
    %scan3A_29 = arith.constant 0 : i32
    %scan3A_30 = arith.constant 5 : i32
    %scan3A_31 = arith.addi %scan3A_29, %scan3A_30 : i32
    %scan3A_32 = arith.constant 1 : i32
    scf.for %scan3A_34 = %scan3A_29 to %scan3A_31 step %scan3A_32  : i32 {
      %dma_wait3A = arith.constant 0 : i32
      %dma_wait3A_35 = arith.constant 0 : i32
      %dma_wait3A_36 = arith.constant 0 : i32
      %dma_wait3A_37 = tpu.memref_slice %arg7[%dma_wait3A_35, %dma_wait3A_36] : memref<40x1024xf32, #tpu.memory_space<vmem>> -> memref<8x1024xf32, #tpu.memory_space<vmem>>
      %dma_wait3A_38 = arith.constant 0 : i32
      %dma_wait3A_39 = arith.constant 0 : i32
      %dma_wait3A_40 = tpu.memref_slice %arg4[%dma_wait3A, %dma_wait3A_38, %dma_wait3A_39] : memref<50x1000x1024xf32, #tpu.memory_space<hbm>> -> memref<1x8x1024xf32, #tpu.memory_space<hbm>>
      %dma_wait3A_41 = tpu.memref_squeeze %dma_wait3A_40 : memref<1x8x1024xf32, #tpu.memory_space<hbm>> -> memref<8x1024xf32, #tpu.memory_space<hbm>>
      %dma_wait3A_42 = arith.constant 0 : i32
      %dma_wait3A_43 = arith.constant 0 : i32
      %dma_wait3A_44 = tpu.memref_slice %arg4[%dma_wait3A, %dma_wait3A_42, %dma_wait3A_43] : memref<50x1000x1024xf32, #tpu.memory_space<hbm>> -> memref<1x8x1024xf32, #tpu.memory_space<hbm>>
      %dma_wait3A_45 = tpu.memref_squeeze %dma_wait3A_44 : memref<1x8x1024xf32, #tpu.memory_space<hbm>> -> memref<8x1024xf32, #tpu.memory_space<hbm>>
      %dma_wait3A_46 = arith.constant 0 : i32
      %dma_wait3A_47 = arith.constant 0 : i32
      %dma_wait3A_48 = tpu.memref_slice %arg7[%dma_wait3A_46, %dma_wait3A_47] : memref<40x1024xf32, #tpu.memory_space<vmem>> -> memref<8x1024xf32, #tpu.memory_space<vmem>>
      tpu.wait_dma2 semaphore(%arg8 : memref<!tpu.dma_semaphore, #tpu.memory_space<semaphore_mem>>) src(%dma_wait3A_48 : memref<8x1024xf32, #tpu.memory_space<vmem>>) dst(%dma_wait3A_45 : memref<8x1024xf32, #tpu.memory_space<hbm>>)
    }
    %scan3A_33 = arith.constant 5 : i32
    return
  }
}

</mosaic_0001>

<sc_bundles>
// kernel: kernel.3.cloned.1.call-start
scs
__scs_entry_jumppad:
0x0: {  	(pc) =	sbr.rel $0x88, $3  }
0x1: {  	(tag) =	ssettag $0x0;
	lr =	simm.s32 $0x1  }
0x2: {  	[smem:$0x3F9F] =	sst lr;
	_ =	strace $0xD0000000  }
0x3: {  	_ = 	snop  }
0x4: {  	_ = 	snop  }
0x5: {  	_ = 	snop  }
0x6: {  	_ = 	snop  }
0x7: {  	_ = 	snop  }
__scs_overlays_trampoline_lowered:
0x8: {  	[smem:$0x3FAE] =	sst s0  }
0x9: {  	[smem:$0x3FAF] =	sst s1  }
0xa: {  	[smem:$0x3FB0] =	sst s2  }
0xb: {  	[smem:$0x3FB1] =	sst s3  }
0xc: {  	[smem:$0x3FB2] =	sst s4  }
0xd: {  	[smem:$0x3FB3] =	sst s5  }
0xe: {  	[smem:$0x3FB4] =	sst s6  }
0xf: {  	[smem:$0x3FB5] =	sst s7  }
0x10: {  	[smem:$0x3FB6] =	sst s8  }
0x11: {  	[smem:$0x3FB7] =	sst s9;
	s0 =	simm.s32 @!p0 $0x0  }
0x12: {  	s1 =	sld [smem:$0x3F9D];
	s0 =	simm.s32 @p0 $0x1  }
0x13: {  	[smem:$0x3FB8] =	sst s0;
	s0 =	simm.s32 @!p1 $0x0  }
0x14: {  	s2 =	sld [smem:$0x3F9C];
	s0 =	simm.s32 @p1 $0x1  }
0x15: {  	[smem:$0x3FB9] =	sst s0;
	s0 =	simm.s32 @!p2 $0x0  }
0x16: {  	s3 =	sld [smem:$0x3FDB];
	s0 =	simm.s32 @p2 $0x1  }
0x17: {  	s4 =	simm.s32 $0x1BF5;
	[smem:$0x3FBB] =	sst s0  }
0x18: {  	s0 =	sld [smem:$0x3F9E];
	_ =	swait.ge [sflag:s4], $0x0  }
0x19: {  	s7 =	sld [smem:$0x3F9F]  }
0x1a: {  	s8 =	sadd.s32 $0xFFFFE003, lr  }
0x1b: {  	s9 =	sadd.s32 $0xFFFFFEF7, lr;
	s5 =	simm.s32 $0xFFFFFFFF;
	p2 =	slt.u32 s8, $0xFFFFF086  }
0x1c: {  	p1 =	slt.u32 s9, $0xF7A;
	s5 =	simm.s32 @!p2 $0x0  }
0x1d: {  	s5 =	simm.s32 @p1 $0x1;
	p0 =	seq.s32 s7, s2  }
0x1e: {  	s7 =	smul.u32 @!p0 $0xF7A, s2;
	p2 =	seq.s32 @!p0 s5, $0x0  }
0x1f: {  	s9 =	smul.u32 $0xF7A, s1;
	s8 =	simm.s32 @!p0 $0x1BF5;
	p2 =	por !p2, p0  }
0x20: {  	[sflag:s8] =	ssyncset.s32 @!p0 $0xFFFFF086;
	s6 =	sadd.s32 @!p0 s3, s7;
	s7 =	simm.s32 @!p0 $0x108  }
0x21: {  	s3 =	sadd.s32 s3, s9;
	s6 =	sadd.s32 @!p0 $0x88, s6;
	s7 =	simm.s32 @p2 $0x1082  }
0x22: {  	[simem:s7], [sflag:s8] =	dma.local @!p0 [hbm:s6], $0xF7A  }
0x23: {  	s9 =	sor.u32 $0xD0000000, s2;
	s6 =	simm.s32 $0x108;
	_ =	swait.ge @!p0 [sflag:s8], $0x0  }
0x24: {  	s3 =	sadd.s32 $0x88, s3;
	s6 =	simm.s32 @!p1 $0x1082;
	[sflag:s4] =	ssyncset.s32 $0xFFFFF086  }
0x25: {  	[simem:s6], [sflag:s4] =	dma.local [hbm:s3], $0xF7A  }
0x26: {  	[smem:$0x3F9F] =	sst s1;
	(tag) =	ssettag s2;
	_ =	strace s9  }
0x27: {  	s1 =	sld [smem:$0x3FAF]  }
0x28: {  	s2 =	sld [smem:$0x3FB0]  }
0x29: {  	s4 =	sld [smem:$0x3FB2]  }
0x2a: {  	p0 =	seq.s32 s5, $0x0;
	s5 =	sld [smem:$0x3FB3]  }
0x2b: {  	s6 =	sld [smem:$0x3FB4]  }
0x2c: {  	s7 =	sld [smem:$0x3FB5]  }
0x2d: {  	s3 =	simm.s32 $0x108;
	s8 =	sld [smem:$0x3FB6]  }
0x2e: {  	s3 =	simm.s32 @!p0 $0x1082;
	s9 =	sld [smem:$0x3FB7]  }
0x2f: {  	lr =	sadd.s32 s0, s3;
	s0 =	sld [smem:$0x3FAE]  }
0x30: {  	s3 =	sld [smem:$0x3FB1]  }
0x31: {  	[smem:$0x3FBA] =	sst s10  }
0x32: {  	s10 =	sld [smem:$0x3FB8];
	_ =	sdelay $0x3  }
0x33: {  	p0 =	seq.s32 s10, $0x1;
	s10 =	sld [smem:$0x3FBA];
	_ =	sdelay $0x3  }
0x34: {  	[smem:$0x3FBA] =	sst s10  }
0x35: {  	s10 =	sld [smem:$0x3FB9];
	_ =	sdelay $0x3  }
0x36: {  	p1 =	seq.s32 s10, $0x1;
	s10 =	sld [smem:$0x3FBA];
	_ =	sdelay $0x3  }
0x37: {  	[smem:$0x3FBA] =	sst s10  }
0x38: {  	s10 =	sld [smem:$0x3FBB]  }
0x39: {  	_ = 	snop;
	(pc) =	sbr.ind lr, $3  }
0x3a: {  	_ = 	snop  }
0x3b: {  	_ = 	snop  }
0x3c: {  	p2 =	seq.s32 s10, $0x1;
	s10 =	sld [smem:$0x3FBA]  }
0x3d: {  	_ =	shalt  }
0x3e: {  	_ =	shalt  }
0x3f: {  	_ =	shalt  }
0x40: {  	_ =	shalt  }
0x41: {  	_ =	shalt  }
0x42: {  	_ =	shalt  }
0x43: {  	_ =	shalt  }
0x44: {  	_ =	shalt  }
0x45: {  	_ =	shalt  }
0x46: {  	_ =	shalt  }
0x47: {  	_ =	shalt  }
0x48: {  	_ =	shalt  }
0x49: {  	_ =	shalt  }
0x4a: {  	_ =	shalt  }
0x4b: {  	_ =	shalt  }
0x4c: {  	_ =	shalt  }
0x4d: {  	_ =	shalt  }
0x4e: {  	_ =	shalt  }
0x4f: {  	_ =	shalt  }
0x50: {  	_ =	shalt  }
0x51: {  	_ =	shalt  }
0x52: {  	_ =	shalt  }
0x53: {  	_ =	shalt  }
0x54: {  	_ =	shalt  }
0x55: {  	_ =	shalt  }
0x56: {  	_ =	shalt  }
0x57: {  	_ =	shalt  }
0x58: {  	_ =	shalt  }
0x59: {  	_ =	shalt  }
0x5a: {  	_ =	shalt  }
0x5b: {  	_ =	shalt  }
0x5c: {  	_ =	shalt  }
0x5d: {  	_ =	shalt  }
0x5e: {  	_ =	shalt  }
0x5f: {  	_ =	shalt  }
0x60: {  	_ =	shalt  }
0x61: {  	_ =	shalt  }
0x62: {  	_ =	shalt  }
0x63: {  	_ =	shalt  }
0x64: {  	_ =	shalt  }
0x65: {  	_ =	shalt  }
0x66: {  	_ =	shalt  }
0x67: {  	_ =	shalt  }
0x68: {  	_ =	shalt  }
0x69: {  	_ =	shalt  }
0x6a: {  	_ =	shalt  }
0x6b: {  	_ =	shalt  }
0x6c: {  	_ =	shalt  }
0x6d: {  	_ =	shalt  }
0x6e: {  	_ =	shalt  }
0x6f: {  	_ =	shalt  }
0x70: {  	_ =	shalt  }
0x71: {  	_ =	shalt  }
0x72: {  	_ =	shalt  }
0x73: {  	_ =	shalt  }
0x74: {  	_ =	shalt  }
0x75: {  	_ =	shalt  }
0x76: {  	_ =	shalt  }
0x77: {  	_ =	shalt  }
0x78: {  	_ =	shalt  }
0x79: {  	_ =	shalt  }
0x7a: {  	_ =	shalt  }
0x7b: {  	_ =	shalt  }
0x7c: {  	_ =	shalt  }
0x7d: {  	_ =	shalt  }
0x7e: {  	_ =	shalt  }
0x7f: {  	_ =	shalt  }
0x80: {  	_ =	shalt  }
0x81: {  	_ =	shalt  }
0x82: {  	_ =	shalt  }
0x83: {  	_ =	shalt  }
0x84: {  	_ =	shalt  }
0x85: {  	_ =	shalt  }
0x86: {  	_ =	shalt  }
0x87: {  	_ =	shalt  }
.Lfunc_end0:
.L_simem_size_0:
called_computation_lowered:
.L_overlay_start_0:
0x88: {  	s2 =	sld [smem:$0x3FD9]  }
0x89: {  	s3 =	sld [smem:$0x3FFE];
	_ =	sdelay $0x1  }
0x8a: {  	s1 =	srdreg.scid  }
0x8b: {  	s0 =	sand.u32 $0x1, s1  }
0x8c: {  	s17 =	sshll.u32 s0, $0xA;
	s2 =	sadd.s32 s3, s2  }
0x8d: {  	s2 =	sadd.s32 s2, s17  }
0x8e: {  	[smem:$0x3FC6] =	sst s2  }
0x8f: {  	_ = 	snop  }
0x90: {  	s2 =	sld [smem:$0x3FC9]  }
0x91: {  	s18 =	sld [smem:$0x3FD0];
	(tm) =	ssettm $0x1  }
0x92: {  	s4 =	sld [smem:$0x3FFB];
	_ =	sdelay $0x3  }
0x93: {  	_ =	strace s4  }
0x94: {  	s4 =	sld [smem:$0x3FFC];
	_ =	sdelay $0x3  }
0x95: {  	_ =	strace s4  }
0x96: {  	s4 =	sld [smem:$0x3FFD];
	_ =	sdelay $0x3  }
0x97: {  	_ =	strace s4  }
0x98: {  	_ =	strace $0x8FFFFFFF  }
0x99: {  	s19 =	sld [smem:$0x3FDB];
	_ =	sdelay $0x1  }
0x9a: {  	s5 =	simm.s32 $_scs_section_size  }
0x9b: {  	s6 =	simm.s32 $_size__tile_overlayer_lowered;
	s7 =	simm.s32 $_tile_overlayer_lowered  }
0x9c: {  	s22 =	simm.s32 $0x1BFF;
	s21 =	sshll.u32 s7, $0x1;
	s4 =	sadd.s32 s5, s19  }
0x9d: {  	s8 =	simm.s32 $0x0;
	s20 =	sshll.u32 s6, $0x1;
	s6 =	sadd.s32 s21, s4  }
0x9e: {  	[timem:s8], [sflag:s22] =	dma.local [hbm:s6], s20  }
0x9f: {  	_ =	swait.ge [sflag:s22], s20  }
0xa0: {  	s5 =	ssub.s32 $0x0, s20;
	[sflag:s22] =	ssyncset.done $0x0  }
0xa1: {  	[sflag:s22] =	ssyncadd.s32 s5;
	_ =	sdelay $0x1  }
0xa2: {  	s23 =	simm.s32 $0x1B8B  }
0xa3: {  	_ =	swait.ge [sflag:s23], $0x1  }
0xa4: {  	[sflag:s23] =	ssyncset.done $0x0  }
0xa5: {  	s25 =	simm.s32 $0x1B8E;
	s24 =	sld [smem:$0x3FFE];
	[sflag:s23] =	ssyncadd.s32 $0xFFFFFFFF  }
0xa6: {  	s26 =	simm.s32 $execute0_lowered;
	[smem:$0x3FD2] =	sst s25  }
0xa7: {  	s6 =	sshll.u32 s26, $0x1;
	_ =	strace $0x80000046;
	[dreg:$0x1] =	wrdreg $0xFFFFFFFF  }
0xa8: {  	s28 =	simm.s32 $_size_execute0_lowered;
	s4 =	sadd.s32 s4, s6;
	[dreg:$0x0] =	wrdreg $0x0  }
0xa9: {  	s6 =	sshll.u32 s28, $0x1;
	[dreg:$0x2] =	wrdreg s4  }
0xaa: {  	[dreg:$0x3] =	wrdreg s6  }
0xab: {  	[dreg:$0x4] =	wrdreg $0xC0  }
0xac: {  	_ =	task [dreg:s8], $0x5FFFF  }
0xad: {  	[dreg:$0x1] =	wrdreg $0xFFFFFFFF  }
0xae: {  	[dreg:$0x0] =	wrdreg $0x60  }
0xaf: {  	[dreg:$0x2] =	wrdreg s2  }
0xb0: {  	[dreg:$0x3] =	wrdreg s24  }
0xb1: {  	[dreg:$0x4] =	wrdreg s18  }
0xb2: {  	[dreg:$0x5] =	wrdreg $0x9  }
0xb3: {  	_ =	task.clear_ibuf [dreg:s8], $0x6FFFF;
	_ =	strace $0x90000046  }
0xb4: {  	s29 =	simm.s32 $0x9;
	_ =	strace $0x80000048  }
0xb5: {  	_ =	swait.ge [sflag:s29], $0x1  }
0xb6: {  	[sflag:s29] =	ssyncadd.s32 $0xFFFFFFFF  }
0xb7: {  	_ =	strace $0x90000048  }
0xb8: {  	_ =	sfence  }
0xb9: {  	s30 =	sld [smem:$0x0];
	_ =	sdelay $0x2  }
0xba: {  	s31 =	sshll.u32 s1, $0xD;
	s1 =	sshrl.u32 s1, $0x2  }
0xbb: {  	s3 =	sand.u32 $0x4000, s31;
	s1 =	sadd.s32 s1, s30  }
0xbc: {  	s0 =	sor.u32 s3, s0;
	s1 =	sshll.u32 s1, $0x11  }
0xbd: {  	s0 =	sor.u32 s1, s0  }
0xbe: {  	s0 =	sadd.s32 $0x8F2B, s0  }
0xbf: {  	[sflag:s0] =	ssyncadd.remote.s32 $0x1  }
0xc0: {  	_ =	sfence.sel $0xFFFF  }
0xc1: {  	[dreg:$0x0] =	wrdreg $0xFFFFFFFF;
	(pc) =	sbr.abs _section_cstart, $3  }
0xc2: {  	[dreg:$0x1] =	wrdreg $0xFFFFFFFF  }
0xc3: {  	_ =	task.clear_ibuf [dreg:s8], $0x2FFFF;
	_ =	strace $0x9FFFFFFF  }
0xc4: {  	(tm) =	ssettm $0x7FFFFFFF  }
0xc5: {  	_ =	shalt  }
tec
execute0_lowered:
.L_overlay_start_1:
0x0: {  	(tag) =	ssettag $0x1  }
0x1: {  	s1 =	rddreg [dreg:$0x0]  }
0x2: {  	s6 =	rddreg [dreg:$0x1]  }
0x3: {  	s3 =	rddreg [dreg:$0x2]  }
0x4: {  	s0 =	rddreg [dreg:$0x3]  }
0x5: {  	s4 =	simm.s32 $0x0;
	s5 =	srdreg.scid;
	s2 =	stileid.u32  }
0x6: {  	s12 =	simm.s32 $0x1;
	s13 =	simm.s32 $0x0;
	[smem:$0x7FF] =	sst s4  }
0x7: {  	s8 =	sand.u32 $0x1, s5;
	s30 =	sshll.u32 s2, $0x1;
	s5 =	simm.s32 $0x4  }
0x8: {  	s6 =	sadd.s32 $0x400, s6;
	s31 =	sshll.u32 s2, $0xE;
	s7 =	ssub.s32 $0x2, s8  }
0x9: {  	_ =	strace $0x80000047;
	s9 =	sor.u32 s8, s30;
	s10 =	sshrl.u32 s7, $0x1  }
0xa: {  	s11 =	sshll.u32 s8, $0xD;
	p0 =	slt.u32 s9, $0x1D;
	s10 =	ssub.s32 s7, s10  }
0xb: {  	v0 =	vimm.s32 $0x0;
	vm0 =	vcmask $0x300;
	s5 =	simm.s32 @!p0 $0x3;
	s7 =	sshll.u32 s9, $0xD;
	s9 =	sor.u32 s11, s31  }
0xc: {  	v0 =	vsel vm0, $0xD, v0;
	s11 =	simm.s32 $0xE000;
	s8 =	smax.u32 s10, $0x1;
	s10 =	simm.s32 $0x2  }
.LBB2_1:
0xd: {  	[tilespmem:s4], [sflag:$0x2] =	stream.linear.gather [hbm4b:s1+s4], $0xE000, $0x38;
	v63 =	vld [tilespmem:$0x0]  }
0xe: {  	p0 =	sne.s32 s5, $0x1  }
.Ltmp0:
0xf: {  	_ = 	snop;
	(pc) =	sbr.rel @!p0 .LBB2_3-.Ltmp0, $4  }
0x10: {  	s14 =	sshrl.u32 s9, $0x3  }
0x11: {  	s14 =	sadd.s32 s6, s14  }
0x12: {  	[tilespmem:s11], [sflag:$0x2] =	stream.linear.gather [hbm4b:s14+s4], $0x2000, $0x38;
	v63 =	vld [tilespmem:$0x0]  }
0x13: {  	s15 =	sadd.s32 $0x40000, s9;
	s16 =	simm.s32 $0xE000;
	s14 =	sadd.s32 $0xFFFFFFFF, s5  }
.LBB2_2:
0x14: {  	s17 =	sshrl.u32 s15, $0x3;
	p1 =	sne.s32 s14, $0x1;
	s14 =	sadd.s32 $0xFFFFFFFF, s14  }
.Ltmp1:
0x15: {  	s16 =	sadd.s32 $0x2000, s16;
	s17 =	sadd.s32 s6, s17;
	(pc) =	sbr.rel @p1 .LBB2_2-.Ltmp1, $3  }
0x16: {  	[tilespmem:s16], [sflag:$0x2] =	stream.linear.gather [hbm4b:s17+s4], $0x2000, $0x38;
	v63 =	vld [tilespmem:$0x0]  }
0x17: {  	_ =	sdelay $0x1  }
0x18: {  	s15 =	sadd.s32 $0x40000, s15  }
.LBB2_3:
.Ltmp2:
0x19: {  	_ =	swait.ge [sflag:s10], $0xE000;
	(pc) =	sbr.rel @!p0 .LBB2_5-.Ltmp2, $4  }
0x1a: {  	[sflag:s10] =	ssyncset.done $0x0  }
0x1b: {  	[sflag:s10] =	ssyncadd.s32 $0xFFFF2000  }
0x1c: {  	_ =	swait.ge [sflag:s10], $0x2000  }
0x1d: {  	s15 =	sadd.s32 $0xFFFFFFFF, s5;
	s14 =	simm.s32 $0x0;
	[sflag:s10] =	ssyncset.done $0x0  }
.LBB2_4:
0x1e: {  	p0 =	sne.s32 s15, $0x1;
	s15 =	sadd.s32 $0xFFFFFFFF, s15;
	[sflag:s10] =	ssyncadd.s32 $0xFFFFE000  }
.Ltmp3:
0x1f: {  	(pc) =	sbr.rel @p0 .LBB2_4-.Ltmp3, $3  }
0x20: {  	_ =	sdelay $0x1  }
0x21: {  	_ =	swait.ge [sflag:s10], $0x2000  }
0x22: {  	[sflag:s10] =	ssyncset.done $0x0  }
.LBB2_5:
0x23: {  	[sflag:s10] =	ssyncadd.s32 $0xFFFFE000;
	s15 =	smov.u32 s14  }
0x24: {  	s16 =	smov.u32 s14;
	s17 =	smov.u32 s14;
	s18 =	smov.u32 s14  }
.LBB2_6:
0x25: {  	s19 =	sshll.u32 s16, $0x2;
	s20 =	sand.u32 $0x7, s15  }
0x26: {  	s19 =	sand.u32 $0xFFFF8000, s19;
	s20 =	sshll.u32 s20, $0x9  }
0x27: {  	s31 =	smul.u32 $0xFA000, s18;
	s19 =	sor.u32 s20, s19  }
0x28: {  	s19 =	sshrl.u32 s19, $0x2  }
0x29: {  	s21 =	smov.u32 s14;
	s20 =	sadd.s32 s7, s31;
	s19 =	sor.u32 $0x40, s19  }
.LBB2_7:
0x2a: {  	p0 =	slt.s32 s17, $0x5  }
0x2b: {  	s22 =	simm.s32 @!p0 $0x1  }
0x2c: {  	_ =	swait.ge @!p0 [sflag:s22], $0x2000  }
0x2d: {  	[sflag:s22] =	ssyncset.done @!p0 $0x0  }
0x2e: {  	s29 =	sshll.u32 s21, $0x3;
	[sflag:s22] =	ssyncadd.s32 @!p0 $0xFFFFE000  }
0x2f: {  	v1 =	vmov s29;
	v7 =	vld [tilespmem:s19+$0xFFFFFFF0]  }
0x30: {  	v1 =	vshrl.u32 v1, $0x3;
	v8 =	vld [tilespmem:s19+$0x30]  }
0x31: {  	v11 =	vshll.u32 v1, v0;
	v9 =	vld [tilespmem:s19+$0xFFFFFFD0]  }
0x32: {  	v1 =	vor.u32 $0x80, v11;
	v10 =	vld [tilespmem:s19+$0x0]  }
0x33: {  	v2 =	vbroadcast v11, $0x0;
	v3 =	vbroadcast v1, $0x0;
	v1 =	vor.u32 $0x100, v11;
	v20 =	vld [tilespmem:s19+$0x20]  }
0x34: {  	v6 =	vor.u32 $0x200, v11;
	v4 =	vbroadcast v1, $0x0;
	v1 =	vor.u32 $0x180, v11  }
0x35: {  	v6 =	vbroadcast v6, $0x0;
	v5 =	vbroadcast v1, $0x0;
	v12 =	vshll.u32 v7, $0x3  }
0x36: {  	v13 =	vshll.u32 v9, $0x3;
	v15 =	vand.u32 $0x7F, v7;
	v1 =	vand.u32 $0x7F, v8  }
0x37: {  	v14 =	vand.u32 $0x7F, v9;
	v7 =	vshll.u32 v10, $0x3;
	v8 =	vshll.u32 v8, $0x3  }
0x38: {  	v21 =	vshll.u32 v20, $0x3;
	v22 =	vand.u32 $0x7F, v20;
	v17 =	vand.u32 $0xFFFFFC00, v13  }
0x39: {  	v7 =	vand.u32 $0xFFFFFC00, v7;
	v16 =	vand.u32 $0xFFFFFC00, v8;
	v8 =	vand.u32 $0x7F, v10  }
0x3a: {  	v23 =	vand.u32 $0xFFFFFC00, v21;
	v13 =	vadd.s32 v2, v17;
	v18 =	vadd.s32 v2, v7  }
0x3b: {  	v9 =	vld [tilespmem:s19+$0xFFFFFFC0];
	v19 =	vadd.s32 v6, v7;
	v10 =	vadd.s32 v2, v16;
	v27 =	vadd.s32 v3, v17  }
0x3c: {  	s30 =	smulhi.u32 $0x66666667, s17;
	s23 =	sshra.s32 s17, $0x1F;
	v25 =	vld [tilespmem:s19+$0xFFFFFFE0];
	v28 =	vadd.s32 v3, v16;
	v31 =	vadd.s32 v3, v23;
	v37 =	vadd.s32 v4, v16  }
0x3d: {  	s23 =	smul.u32 $0x66666667, s23;
	v38 =	vadd.s32 v5, v23;
	v40 =	vadd.s32 v4, v23;
	v41 =	vadd.s32 v3, v7  }
0x3e: {  	v51 =	vadd.s32 v4, v17;
	v13 =	vor.u32 v14, v13;
	v26 =	vor.u32 v8, v18  }
0x3f: {  	s22 =	sadd.s32 s23, s30;
	v10 =	vor.u32 v1, v10;
	v18 =	vand.u32 $0xFFFFFC00, v12;
	v12 =	vadd.s32 v2, v23  }
0x40: {  	s23 =	sshrl.u32 s22, $0x1F;
	s22 =	sshra.s32 s22, $0x1;
	v24 =	vadd.s32 v2, v18;
	v12 =	vor.u32 v22, v12;
	v20 =	vshll.u32 v9, $0x3  }
0x41: {  	s22 =	sadd.s32 s23, s22;
	v29 =	vor.u32 v15, v24;
	v24 =	vshll.u32 v25, $0x3;
	v21 =	vand.u32 $0xFFFFFC00, v20  }
0x42: {  	v34 =	vld [tilespmem:s19+$0x10];
	s22 =	smul.u32 $0x5, s22;
	v20 =	vand.u32 $0x7F, v9;
	v24 =	vand.u32 $0xFFFFFC00, v24;
	v9 =	vadd.s32 v2, v21  }
0x43: {  	v25 =	vand.u32 $0x7F, v25;
	v32 =	vadd.s32 v2, v24;
	v9 =	vor.u32 v20, v9;
	v13 =	vld.idx.msk [tilespmem:v13+s11+$0x0], $0xffff  }
0x44: {  	s22 =	ssub.s32 s17, s22;
	v53 =	vadd.s32 v5, v16;
	v55 =	vadd.s32 v4, v7;
	v32 =	vor.u32 v25, v32;
	v26 =	vld.idx.msk [tilespmem:v26+s11+$0x0], $0xffff  }
0x45: {  	s22 =	sshll.u32 s22, $0xF;
	v47 =	vadd.s32 v6, v16;
	v31 =	vor.u32 v22, v31;
	v41 =	vor.u32 v8, v41;
	v10 =	vld.idx.msk [tilespmem:v10+s11+$0x0], $0xffff  }
0x46: {  	s31 =	sshra.s32 s22, $0x2;
	v28 =	vor.u32 v1, v28;
	v27 =	vor.u32 v14, v27;
	v40 =	vor.u32 v22, v40;
	v12 =	vld.idx.msk [tilespmem:v12+s11+$0x0], $0xffff  }
0x47: {  	s22 =	sadd.s32 $0x16200, s31;
	v37 =	vor.u32 v1, v37;
	v38 =	vor.u32 v22, v38;
	v36 =	vadd.s32 v3, v18;
	v29 =	vld.idx.msk [tilespmem:v29+s11+$0x0], $0xffff  }
0x48: {  	v48 =	vor.u32 v1, v47;
	v36 =	vor.u32 v15, v36;
	v9 =	vld.idx.msk [tilespmem:v9+s11+$0x0], $0xffff;
	[tilespmem:s22+$0xFFFFFE10] =	vst v13  }
0x49: {  	v58 =	vadd.s32 v5, v18;
	v30 =	vadd.s32 v3, v21;
	v32 =	vld.idx.msk [tilespmem:v32+s11+$0x0], $0xffff;
	[tilespmem:s22+$0xFFFFFE40] =	vst v26  }
0x4a: {  	v33 =	vadd.s32 v3, v24;
	v30 =	vor.u32 v20, v30;
	[tilespmem:s22+$0xFFFFFE70] =	vst v10;
	v52 =	vld.idx.msk [tilespmem:v41+s11+$0x0], $0xffff  }
0x4b: {  	v60 =	vor.u32 v15, v58;
	v33 =	vor.u32 v25, v33;
	[tilespmem:s22+$0xFFFFFE60] =	vst v12;
	v28 =	vld.idx.msk [tilespmem:v28+s11+$0x0], $0xffff  }
0x4c: {  	v42 =	vshll.u32 v34, $0x3;
	v35 =	vadd.s32 v4, v21;
	v13 =	vadd.s32 v5, v24;
	v31 =	vld.idx.msk [tilespmem:v31+s11+$0x0], $0xffff;
	[tilespmem:s22+$0xFFFFFE30] =	vst v29  }
0x4d: {  	v39 =	vadd.s32 v4, v24;
	v12 =	vand.u32 $0xFFFFFC00, v42;
	v44 =	vor.u32 v25, v13;
	v54 =	vld.idx.msk [tilespmem:v36+s11+$0x0], $0xffff;
	[tilespmem:s22+$0xFFFFFE00] =	vst v9  }
0x4e: {  	v13 =	vand.u32 $0x7F, v34;
	v36 =	vor.u32 v8, v55;
	v9 =	vld.idx.msk [tilespmem:v27+s11+$0x0], $0xffff;
	v27 =	vadd.s32 v2, v12;
	[tilespmem:s22+$0xFFFFFE20] =	vst v32  }
0x4f: {  	v43 =	vadd.s32 v5, v21;
	v30 =	vld.idx.msk [tilespmem:v30+s11+$0x0], $0xffff;
	v27 =	vor.u32 v13, v27;
	[tilespmem:s22+$0xFFFFFEC0] =	vst v52  }
0x50: {  	v35 =	vor.u32 v20, v35;
	v26 =	vor.u32 v14, v51;
	v33 =	vld.idx.msk [tilespmem:v33+s11+$0x0], $0xffff;
	[tilespmem:s22+$0xFFFFFEF0] =	vst v28  }
0x51: {  	v39 =	vor.u32 v25, v39;
	v10 =	vadd.s32 v4, v18;
	[tilespmem:s22+$0xFFFFFEE0] =	vst v31;
	v59 =	vld.idx.msk [tilespmem:v37+s11+$0x0], $0xffff  }
0x52: {  	v42 =	vor.u32 v20, v43;
	v10 =	vor.u32 v15, v10;
	v40 =	vld.idx.msk [tilespmem:v40+s11+$0x0], $0xffff;
	[tilespmem:s22+$0xFFFFFEB0] =	vst v54  }
0x53: {  	v29 =	vor.u32 v1, v53;
	v53 =	vadd.s32 v6, v17;
	v61 =	vld.idx.msk [tilespmem:v36+s11+$0x0], $0xffff;
	[tilespmem:s22+$0xFFFFFE90] =	vst v9  }
0x54: {  	v55 =	vor.u32 v14, v53;
	v9 =	vadd.s32 v6, v21;
	[tilespmem:s22+$0xFFFFFE80] =	vst v30;
	v27 =	vld.idx.msk [tilespmem:v27+s11+$0x0], $0xffff  }
0x55: {  	v41 =	vor.u32 v20, v9;
	v9 =	vadd.s32 v3, v12;
	v26 =	vld.idx.msk [tilespmem:v26+s11+$0x0], $0xffff;
	[tilespmem:s22+$0xFFFFFEA0] =	vst v33  }
0x56: {  	v28 =	vadd.s32 v5, v17;
	v35 =	vld.idx.msk [tilespmem:v35+s11+$0x0], $0xffff;
	v57 =	vor.u32 v13, v9;
	[tilespmem:s22+$0xFFFFFF70] =	vst v59  }
0x57: {  	v31 =	vadd.s32 v6, v23;
	v28 =	vor.u32 v14, v28;
	v62 =	vld.idx.msk [tilespmem:v39+s11+$0x0], $0xffff;
	[tilespmem:s22+$0xFFFFFF60] =	vst v40  }
0x58: {  	v56 =	vor.u32 $0x280, v11;
	v31 =	vor.u32 v22, v31;
	v30 =	vadd.s32 v6, v24;
	[tilespmem:s22+$0xFFFFFF40] =	vst v61;
	v29 =	vld.idx.msk [tilespmem:v29+s11+$0x0], $0xffff  }
0x59: {  	v54 =	vadd.s32 v6, v18;
	v30 =	vor.u32 v25, v30;
	v9 =	vbroadcast v56, $0x0;
	[tilespmem:s22+$0xFFFFFE50] =	vst v27;
	v27 =	vld.idx.msk [tilespmem:v38+s11+$0x0], $0xffff  }
0x5a: {  	v56 =	vor.u32 v15, v54;
	v61 =	vadd.s32 v5, v12;
	[tilespmem:s22+$0xFFFFFF10] =	vst v26;
	v26 =	vld.idx.msk [tilespmem:v10+s11+$0x0], $0xffff  }
0x5b: {  	v46 =	vadd.s32 v9, v23;
	v49 =	vadd.s32 v9, v21;
	[tilespmem:s22+$0xFFFFFF00] =	vst v35;
	v51 =	vld.idx.msk [tilespmem:v57+s11+$0x0], $0xffff  }
0x5c: {  	v50 =	vadd.s32 v9, v24;
	v10 =	vadd.s32 v4, v12;
	v28 =	vld.idx.msk [tilespmem:v28+s11+$0x0], $0xffff;
	[tilespmem:s22+$0xFFFFFF20] =	vst v62  }
0x5d: {  	v52 =	vor.u32 $0x300, v11;
	v37 =	vor.u32 v22, v46;
	v45 =	vor.u32 v13, v10;
	v42 =	vld.idx.msk [tilespmem:v42+s11+$0x0], $0xffff;
	[tilespmem:s22+$0xFFFFFFF0] =	vst v29  }
0x5e: {  	v39 =	vor.u32 v25, v50;
	v10 =	vbroadcast v52, $0x0;
	v57 =	vadd.s32 v9, v16;
	v36 =	vld.idx.msk [tilespmem:v44+s11+$0x0], $0xffff;
	[tilespmem:s22+$0xFFFFFFE0] =	vst v27  }
0x5f: {  	v35 =	vor.u32 v20, v49;
	v43 =	vor.u32 v1, v57;
	v38 =	vld.idx.msk [tilespmem:v48+s11+$0x0], $0xffff;
	[tilespmem:s22+$0xFFFFFF30] =	vst v26  }
0x60: {  	v27 =	vadd.s32 v10, v23;
	v26 =	vadd.s32 v9, v18;
	[tilespmem:s22+$0xFFFFFED0] =	vst v51;
	v31 =	vld.idx.msk [tilespmem:v31+s11+$0x0], $0xffff  }
0x61: {  	v58 =	vor.u32 v22, v27;
	v27 =	vadd.s32 v10, v24;
	v32 =	vld.idx.msk [tilespmem:v60+s11+$0x0], $0xffff;
	[tilespmem:s22+$0xFFFFFF90] =	vst v28  }
0x62: {  	v60 =	vor.u32 v15, v26;
	v28 =	vadd.s32 v10, v16;
	v59 =	vld.idx.msk [tilespmem:v45+s11+$0x0], $0xffff;
	[tilespmem:s22+$0xFFFFFF80] =	vst v42  }
0x63: {  	v11 =	vor.u32 $0x380, v11;
	v26 =	vor.u32 v25, v27;
	v27 =	vadd.s32 v9, v17;
	v33 =	vld.idx.msk [tilespmem:v55+s11+$0x0], $0xffff;
	[tilespmem:s22+$0xFFFFFFA0] =	vst v36  }
0x64: {  	v11 =	vbroadcast v11, $0x0;
	v45 =	vor.u32 v13, v61;
	v41 =	vld.idx.msk [tilespmem:v41+s11+$0x0], $0xffff;
	v46 =	vor.u32 v14, v27;
	[tilespmem:s22+$0x70] =	vst v38  }
0x65: {  	v27 =	vor.u32 v1, v28;
	v28 =	vadd.s32 v10, v21;
	v36 =	vld.idx.msk [tilespmem:v30+s11+$0x0], $0xffff;
	[tilespmem:s22+$0x60] =	vst v31  }
0x66: {  	v29 =	vadd.s32 v11, v23;
	v23 =	vor.u32 v20, v28;
	[tilespmem:s22+$0xFFFFFFB0] =	vst v32;
	v32 =	vld.idx.msk [tilespmem:v43+s11+$0x0], $0xffff  }
0x67: {  	v28 =	vor.u32 v22, v29;
	v22 =	vadd.s32 v5, v7;
	v29 =	vor.u32 v8, v19;
	v37 =	vld.idx.msk [tilespmem:v37+s11+$0x0], $0xffff  }
0x68: {  	v19 =	vadd.s32 v11, v24;
	v62 =	vor.u32 v8, v22;
	[tilespmem:s22+$0xFFFFFF50] =	vst v59;
	v34 =	vld.idx.msk [tilespmem:v56+s11+$0x0], $0xffff  }
0x69: {  	v22 =	vor.u32 v25, v19;
	v19 =	vadd.s32 v10, v18;
	v44 =	vld.idx.msk [tilespmem:v45+s11+$0x0], $0xffff;
	[tilespmem:s22+$0x0] =	vst v41  }
0x6a: {  	v24 =	vor.u32 v15, v19;
	v19 =	vadd.s32 v6, v12;
	[tilespmem:s22+$0x10] =	vst v33;
	v35 =	vld.idx.msk [tilespmem:v35+s11+$0x0], $0xffff  }
0x6b: {  	v21 =	vadd.s32 v11, v21;
	v33 =	vor.u32 v13, v19;
	v30 =	vld.idx.msk [tilespmem:v46+s11+$0x0], $0xffff;
	[tilespmem:s22+$0x20] =	vst v36  }
0x6c: {  	v19 =	vor.u32 v20, v21;
	v20 =	vadd.s32 v10, v17;
	v31 =	vld.idx.msk [tilespmem:v39+s11+$0x0], $0xffff;
	[tilespmem:s22+$0xE0] =	vst v37  }
0x6d: {  	v17 =	vadd.s32 v11, v17;
	v25 =	vor.u32 v14, v20;
	[tilespmem:s22+$0x30] =	vst v34;
	v34 =	vld.idx.msk [tilespmem:v62+s11+$0x0], $0xffff  }
0x6e: {  	s24 =	simm.s32 $0x0;
	v20 =	vadd.s32 v11, v18;
	v21 =	vor.u32 v14, v17;
	[tilespmem:s22+$0xFFFFFFD0] =	vst v44;
	v18 =	vld.idx.msk [tilespmem:v58+s11+$0x0], $0xffff  }
0x6f: {  	s25 =	sadd.s32 $0x400, s19;
	s23 =	sadd.s32 $0x16000, s31;
	s26 =	smov.u32 s22;
	v14 =	vadd.s32 v11, v16;
	v20 =	vor.u32 v15, v20;
	v15 =	vld.idx.msk [tilespmem:v60+s11+$0x0], $0xffff;
	[tilespmem:s22+$0x80] =	vst v35  }
.LBB2_8:
0x70: {  	s24 =	sadd.s32 $0x8, s24;
	v16 =	vld.idx.msk [tilespmem:v33+s11+$0x0], $0xffff;
	[tilespmem:s22+$0xF0] =	vst v32;
	s26 =	sadd.s32 $0x400, s26  }
0x71: {  	p0 =	slt.u32 s24, $0x38;
	[tilespmem:s22+$0x90] =	vst v30;
	v17 =	vld.idx.msk [tilespmem:v27+s11+$0x0], $0xffff  }
0x72: {  	v27 =	vld [tilespmem:s25+$0xFFFFFFF0];
	[tilespmem:s22+$0xA0] =	vst v31  }
0x73: {  	v30 =	vld [tilespmem:s25+$0x30];
	[tilespmem:s22+$0x160] =	vst v18  }
0x74: {  	[tilespmem:s22+$0xFFFFFFC0] =	vst v34;
	v18 =	vld.idx.msk [tilespmem:v28+s11+$0x0], $0xffff  }
0x75: {  	v26 =	vld.idx.msk [tilespmem:v26+s11+$0x0], $0xffff;
	[tilespmem:s22+$0xB0] =	vst v15;
	v15 =	vadd.s32 v9, v12  }
0x76: {  	v28 =	vld.idx.msk [tilespmem:v29+s11+$0x0], $0xffff;
	v29 =	vadd.s32 v9, v7;
	[tilespmem:s22+$0x50] =	vst v16;
	v15 =	vor.u32 v13, v15  }
0x77: {  	v16 =	vld.idx.msk [tilespmem:v23+s11+$0x0], $0xffff;
	v23 =	vor.u32 v8, v29;
	[tilespmem:s22+$0x170] =	vst v17  }
0x78: {  	v29 =	vld [tilespmem:s25+$0x0]  }
0x79: {  	v31 =	vadd.s32 v11, v7;
	v17 =	vld [tilespmem:s25+$0xFFFFFFD0]  }
0x7a: {  	v31 =	vor.u32 v8, v31;
	v7 =	vadd.s32 v10, v7;
	v25 =	vld.idx.msk [tilespmem:v25+s11+$0x0], $0xffff;
	[tilespmem:s22+$0x1E0] =	vst v18  }
0x7b: {  	v32 =	vor.u32 v1, v14;
	[tilespmem:s22+$0x120] =	vst v26;
	v26 =	vor.u32 v8, v7;
	v8 =	vld.idx.msk [tilespmem:v15+s11+$0x0], $0xffff  }
0x7c: {  	v1 =	vadd.s32 v10, v12;
	v7 =	vadd.s32 v11, v12;
	v18 =	vld.idx.msk [tilespmem:v24+s11+$0x0], $0xffff;
	[tilespmem:s22+$0x40] =	vst v28  }
0x7d: {  	v12 =	vshll.u32 v27, $0x3;
	v24 =	vor.u32 v13, v1;
	v13 =	vor.u32 v13, v7;
	[tilespmem:s22+$0x100] =	vst v16;
	v23 =	vld.idx.msk [tilespmem:v23+s11+$0x0], $0xffff  }
0x7e: {  	v14 =	vand.u32 $0x7F, v27;
	v1 =	vand.u32 $0x7F, v30;
	v7 =	vshll.u32 v17, $0x3;
	v27 =	vld [tilespmem:s25+$0x20]  }
0x7f: {  	v15 =	vand.u32 $0x7F, v17;
	v28 =	vld [tilespmem:s25+$0xFFFFFFC0];
	v16 =	vand.u32 $0xFFFFFC00, v7;
	v7 =	vshll.u32 v29, $0x3  }
0x80: {  	v17 =	vshll.u32 v30, $0x3;
	v33 =	vadd.s32 v2, v16;
	v7 =	vand.u32 $0xFFFFFC00, v7;
	v30 =	vld.idx.msk [tilespmem:v19+s11+$0x0], $0xffff;
	[tilespmem:s22+$0x110] =	vst v25  }
0x81: {  	v17 =	vand.u32 $0xFFFFFC00, v17;
	v25 =	vadd.s32 v2, v7;
	v19 =	vadd.s32 v6, v7;
	v34 =	vld.idx.msk [tilespmem:v22+s11+$0x0], $0xffff;
	[tilespmem:s22+$0xD0] =	vst v8  }
0x82: {  	v33 =	vor.u32 v15, v33;
	v8 =	vand.u32 $0x7F, v29;
	v22 =	vadd.s32 v2, v17;
	[tilespmem:s22+$0x130] =	vst v18;
	v24 =	vld.idx.msk [tilespmem:v24+s11+$0x0], $0xffff  }
0x83: {  	v35 =	vor.u32 v8, v25;
	v36 =	vor.u32 v1, v22;
	v29 =	vld [tilespmem:s25+$0xFFFFFFE0];
	v25 =	vshll.u32 v27, $0x3;
	[tilespmem:s22+$0xC0] =	vst v23  }
0x84: {  	v37 =	vadd.s32 v3, v16;
	v18 =	vand.u32 $0xFFFFFC00, v12;
	v23 =	vand.u32 $0xFFFFFC00, v25;
	v12 =	vld.idx.msk [tilespmem:v26+s11+$0x0], $0xffff  }
0x85: {  	v22 =	vand.u32 $0x7F, v27;
	v25 =	vadd.s32 v2, v18;
	v26 =	vadd.s32 v2, v23;
	v27 =	vld.idx.msk [tilespmem:v20+s11+$0x0], $0xffff  }
0x86: {  	v39 =	vadd.s32 v3, v17;
	v38 =	vshll.u32 v28, $0x3;
	v26 =	vor.u32 v22, v26;
	[tilespmem:s22+$0x180] =	vst v30;
	v30 =	vld.idx.msk [tilespmem:v21+s11+$0x0], $0xffff  }
0x87: {  	v20 =	vand.u32 $0x7F, v28;
	v21 =	vand.u32 $0xFFFFFC00, v38;
	v28 =	vld.idx.msk [tilespmem:v33+s11+$0x0], $0xffff;
	v33 =	vor.u32 v14, v25;
	[tilespmem:s22+$0x1A0] =	vst v34  }
0x88: {  	v38 =	vadd.s32 v3, v23;
	v25 =	vadd.s32 v2, v21;
	v34 =	vadd.s32 v3, v21;
	[tilespmem:s22+$0x150] =	vst v24  }
0x89: {  	v38 =	vor.u32 v22, v38;
	v40 =	vor.u32 v20, v25;
	v24 =	vshll.u32 v29, $0x3;
	v13 =	vld.idx.msk [tilespmem:v13+s11+$0x0], $0xffff  }
0x8a: {  	v39 =	vor.u32 v1, v39;
	v34 =	vor.u32 v20, v34;
	v25 =	vand.u32 $0xFFFFFC00, v24;
	[tilespmem:s22+$0x140] =	vst v12;
	v12 =	vld.idx.msk [tilespmem:v32+s11+$0x0], $0xffff  }
0x8b: {  	v24 =	vand.u32 $0x7F, v29;
	v29 =	vadd.s32 v2, v25;
	v32 =	vadd.s32 v3, v25;
	[tilespmem:s22+$0x1B0] =	vst v27;
	v27 =	vld.idx.msk [tilespmem:v31+s11+$0x0], $0xffff  }
0x8c: {  	v31 =	vor.u32 v15, v37;
	v29 =	vor.u32 v24, v29;
	v32 =	vor.u32 v24, v32;
	v26 =	vld.idx.msk [tilespmem:v26+s11+$0x0], $0xffff  }
0x8d: {  	v43 =	vadd.s32 v4, v17;
	v41 =	vadd.s32 v3, v18;
	v37 =	vadd.s32 v4, v21;
	v42 =	vld [tilespmem:s25+$0x10];
	[tilespmem:s22+$0x190] =	vst v30  }
0x8e: {  	v37 =	vor.u32 v20, v37;
	v30 =	vld.idx.msk [tilespmem:v40+s11+$0x0], $0xffff;
	v40 =	vor.u32 v14, v41;
	v41 =	vadd.s32 v5, v23  }
0x8f: {  	v45 =	vadd.s32 v4, v23;
	v44 =	vadd.s32 v4, v25;
	v35 =	vld.idx.msk [tilespmem:v35+s11+$0x0], $0xffff;
	[tilespmem:s22+$0x1D0] =	vst v13  }
0x90: {  	v45 =	vor.u32 v22, v45;
	v13 =	vadd.s32 v3, v7;
	v36 =	vld.idx.msk [tilespmem:v36+s11+$0x0], $0xffff;
	[tilespmem:s22+$0x1F0] =	vst v12  }
0x91: {  	v43 =	vor.u32 v1, v43;
	v46 =	vor.u32 v8, v13;
	v29 =	vld.idx.msk [tilespmem:v29+s11+$0x0], $0xffff;
	[tilespmem:s22+$0x1C0] =	vst v27;
	s22 =	smov.u32 s26  }
0x92: {  	v27 =	vor.u32 v24, v44;
	v33 =	vld.idx.msk [tilespmem:v33+s11+$0x0], $0xffff;
	v12 =	vshll.u32 v42, $0x3;
	[tilespmem:s26+$0xFFFFFE60] =	vst v26;
	v26 =	vor.u32 v22, v41  }
0x93: {  	v13 =	vadd.s32 v5, v21;
	[tilespmem:s26+$0xFFFFFE10] =	vst v28;
	v28 =	vadd.s32 v5, v25;
	v12 =	vand.u32 $0xFFFFFC00, v12;
	v38 =	vld.idx.msk [tilespmem:v38+s11+$0x0], $0xffff  }
0x94: {  	[tilespmem:s26+$0xFFFFFE00] =	vst v30;
	v30 =	vor.u32 v20, v13;
	v31 =	vld.idx.msk [tilespmem:v31+s11+$0x0], $0xffff;
	v41 =	vadd.s32 v2, v12  }
0x95: {  	v44 =	vadd.s32 v4, v16;
	v28 =	vor.u32 v24, v28;
	v13 =	vand.u32 $0x7F, v42;
	v34 =	vld.idx.msk [tilespmem:v34+s11+$0x0], $0xffff;
	[tilespmem:s26+$0xFFFFFE40] =	vst v35  }
0x96: {  	v35 =	vor.u32 v15, v44;
	v41 =	vor.u32 v13, v41;
	v42 =	vld.idx.msk [tilespmem:v46+s11+$0x0], $0xffff;
	[tilespmem:s26+$0xFFFFFE70] =	vst v36  }
0x97: {  	[tilespmem:s26+$0xFFFFFE20] =	vst v29;
	v29 =	vadd.s32 v4, v18;
	v36 =	vld.idx.msk [tilespmem:v39+s11+$0x0], $0xffff;
	v39 =	vadd.s32 v5, v17  }
0x98: {  	v32 =	vld.idx.msk [tilespmem:v32+s11+$0x0], $0xffff;
	[tilespmem:s26+$0xFFFFFE30] =	vst v33;
	v29 =	vor.u32 v14, v29;
	v33 =	vor.u32 v1, v39  }
0x99: {  	v39 =	vld.idx.msk [tilespmem:v40+s11+$0x0], $0xffff;
	v40 =	vadd.s32 v4, v7;
	[tilespmem:s26+$0xFFFFFEE0] =	vst v38;
	v38 =	vadd.s32 v6, v23  }
0x9a: {  	[tilespmem:s26+$0xFFFFFE90] =	vst v31;
	v31 =	vor.u32 v8, v40;
	v40 =	vld.idx.msk [tilespmem:v45+s11+$0x0], $0xffff;
	v38 =	vor.u32 v22, v38  }
0x9b: {  	v44 =	vadd.s32 v6, v25;
	[tilespmem:s26+$0xFFFFFE80] =	vst v34;
	v34 =	vadd.s32 v6, v21;
	v41 =	vld.idx.msk [tilespmem:v41+s11+$0x0], $0xffff  }
0x9c: {  	v37 =	vld.idx.msk [tilespmem:v37+s11+$0x0], $0xffff;
	v34 =	vor.u32 v20, v34;
	[tilespmem:s26+$0xFFFFFEC0] =	vst v42;
	v42 =	vadd.s32 v3, v12  }
0x9d: {  	v44 =	vor.u32 v24, v44;
	v35 =	vld.idx.msk [tilespmem:v35+s11+$0x0], $0xffff;
	v42 =	vor.u32 v13, v42;
	[tilespmem:s26+$0xFFFFFEF0] =	vst v36  }
0x9e: {  	v36 =	vadd.s32 v5, v16;
	[tilespmem:s26+$0xFFFFFEA0] =	vst v32;
	v32 =	vadd.s32 v5, v18;
	v43 =	vld.idx.msk [tilespmem:v43+s11+$0x0], $0xffff  }
0x9f: {  	v36 =	vor.u32 v15, v36;
	[tilespmem:s26+$0xFFFFFEB0] =	vst v39;
	v32 =	vor.u32 v14, v32;
	v31 =	vld.idx.msk [tilespmem:v31+s11+$0x0], $0xffff  }
0xa0: {  	v39 =	vadd.s32 v9, v23;
	v27 =	vld.idx.msk [tilespmem:v27+s11+$0x0], $0xffff;
	[tilespmem:s26+$0xFFFFFF60] =	vst v40;
	v40 =	vadd.s32 v6, v17  }
0xa1: {  	v39 =	vor.u32 v22, v39;
	[tilespmem:s26+$0xFFFFFE50] =	vst v41;
	v26 =	vld.idx.msk [tilespmem:v26+s11+$0x0], $0xffff;
	v40 =	vor.u32 v1, v40  }
0xa2: {  	v41 =	vadd.s32 v9, v25;
	[tilespmem:s26+$0xFFFFFF00] =	vst v37;
	v37 =	vadd.s32 v9, v21;
	v42 =	vld.idx.msk [tilespmem:v42+s11+$0x0], $0xffff  }
0xa3: {  	v37 =	vor.u32 v20, v37;
	[tilespmem:s26+$0xFFFFFF10] =	vst v35;
	v29 =	vld.idx.msk [tilespmem:v29+s11+$0x0], $0xffff;
	v35 =	vadd.s32 v4, v12  }
0xa4: {  	v41 =	vor.u32 v24, v41;
	v30 =	vld.idx.msk [tilespmem:v30+s11+$0x0], $0xffff;
	v35 =	vor.u32 v13, v35;
	[tilespmem:s26+$0xFFFFFF70] =	vst v43  }
0xa5: {  	v45 =	vadd.s32 v6, v18;
	v43 =	vadd.s32 v6, v16;
	[tilespmem:s26+$0xFFFFFF40] =	vst v31;
	v31 =	vld.idx.msk [tilespmem:v33+s11+$0x0], $0xffff  }
0xa6: {  	v33 =	vld.idx.msk [tilespmem:v36+s11+$0x0], $0xffff;
	v36 =	vor.u32 v15, v43;
	[tilespmem:s26+$0xFFFFFF20] =	vst v27;
	v43 =	vor.u32 v14, v45  }
0xa7: {  	v27 =	vld.idx.msk [tilespmem:v28+s11+$0x0], $0xffff;
	[tilespmem:s26+$0xFFFFFFE0] =	vst v26;
	v26 =	vadd.s32 v10, v23;
	v28 =	vadd.s32 v9, v17  }
0xa8: {  	[tilespmem:s26+$0xFFFFFED0] =	vst v42;
	v38 =	vld.idx.msk [tilespmem:v38+s11+$0x0], $0xffff;
	v42 =	vor.u32 v22, v26;
	v45 =	vor.u32 v1, v28  }
0xa9: {  	v26 =	vadd.s32 v10, v25;
	v28 =	vadd.s32 v9, v18;
	[tilespmem:s26+$0xFFFFFF30] =	vst v29;
	v29 =	vld.idx.msk [tilespmem:v35+s11+$0x0], $0xffff  }
0xaa: {  	v35 =	vor.u32 v14, v28;
	v28 =	vadd.s32 v5, v12;
	[tilespmem:s26+$0xFFFFFF80] =	vst v30;
	v30 =	vld.idx.msk [tilespmem:v32+s11+$0x0], $0xffff  }
0xab: {  	v26 =	vor.u32 v24, v26;
	v32 =	vld.idx.msk [tilespmem:v34+s11+$0x0], $0xffff;
	v34 =	vor.u32 v13, v28;
	[tilespmem:s26+$0xFFFFFFF0] =	vst v31  }
0xac: {  	v28 =	vadd.s32 v9, v16;
	[tilespmem:s26+$0xFFFFFF90] =	vst v33;
	v31 =	vld.idx.msk [tilespmem:v40+s11+$0x0], $0xffff;
	v33 =	vadd.s32 v10, v17  }
0xad: {  	v40 =	vor.u32 v15, v28;
	v36 =	vld.idx.msk [tilespmem:v36+s11+$0x0], $0xffff;
	[tilespmem:s26+$0xFFFFFFA0] =	vst v27;
	v27 =	vor.u32 v1, v33  }
0xae: {  	v28 =	vadd.s32 v10, v21;
	v33 =	vld.idx.msk [tilespmem:v44+s11+$0x0], $0xffff;
	[tilespmem:s26+$0x60] =	vst v38;
	v38 =	vadd.s32 v11, v23  }
0xaf: {  	v23 =	vor.u32 v20, v28;
	[tilespmem:s26+$0xFFFFFF50] =	vst v29;
	v39 =	vld.idx.msk [tilespmem:v39+s11+$0x0], $0xffff;
	v28 =	vor.u32 v22, v38  }
0xb0: {  	v22 =	vadd.s32 v5, v7;
	v29 =	vor.u32 v8, v19;
	[tilespmem:s26+$0xFFFFFFB0] =	vst v30;
	v34 =	vld.idx.msk [tilespmem:v34+s11+$0x0], $0xffff  }
0xb1: {  	v19 =	vadd.s32 v11, v25;
	[tilespmem:s26+$0x0] =	vst v32;
	v38 =	vld.idx.msk [tilespmem:v43+s11+$0x0], $0xffff;
	v43 =	vor.u32 v8, v22  }
0xb2: {  	v22 =	vor.u32 v24, v19;
	v19 =	vadd.s32 v10, v18;
	v37 =	vld.idx.msk [tilespmem:v37+s11+$0x0], $0xffff;
	[tilespmem:s26+$0x70] =	vst v31  }
0xb3: {  	v24 =	vor.u32 v14, v19;
	v19 =	vadd.s32 v6, v12;
	[tilespmem:s26+$0x10] =	vst v36;
	v32 =	vld.idx.msk [tilespmem:v45+s11+$0x0], $0xffff  }
.Ltmp4:
0xb4: {  	v21 =	vadd.s32 v11, v21;
	v30 =	vld.idx.msk [tilespmem:v40+s11+$0x0], $0xffff;
	[tilespmem:s26+$0x20] =	vst v33;
	v33 =	vor.u32 v13, v19;
	(pc) =	sbr.rel @p0 .LBB2_8-.Ltmp4, $4  }
0xb5: {  	v19 =	vor.u32 v20, v21;
	v20 =	vadd.s32 v10, v16;
	v31 =	vld.idx.msk [tilespmem:v41+s11+$0x0], $0xffff;
	[tilespmem:s26+$0xE0] =	vst v39  }
0xb6: {  	v25 =	vor.u32 v15, v20;
	v20 =	vadd.s32 v11, v18;
	[tilespmem:s26+$0xFFFFFFD0] =	vst v34;
	v18 =	vld.idx.msk [tilespmem:v42+s11+$0x0], $0xffff  }
0xb7: {  	v16 =	vadd.s32 v11, v16;
	v20 =	vor.u32 v14, v20;
	[tilespmem:s26+$0x30] =	vst v38;
	v34 =	vld.idx.msk [tilespmem:v43+s11+$0x0], $0xffff  }
0xb8: {  	s25 =	sadd.s32 $0x400, s25;
	v21 =	vor.u32 v15, v16;
	v14 =	vadd.s32 v11, v17;
	[tilespmem:s26+$0x80] =	vst v37;
	v15 =	vld.idx.msk [tilespmem:v35+s11+$0x0], $0xffff  }
0xb9: {  	_ =	sdelay $0x3  }
0xba: {  	v2 =	vld.idx.msk [tilespmem:v33+s11+$0x0], $0xffff;
	v3 =	vadd.s32 v9, v12;
	[tilespmem:s22+$0xFFFFFFC0] =	vst v34  }
0xbb: {  	[tilespmem:s22+$0xF0] =	vst v32;
	v5 =	vadd.s32 v9, v7;
	v3 =	vor.u32 v13, v3;
	v4 =	vld.idx.msk [tilespmem:v29+s11+$0x0], $0xffff  }
0xbc: {  	[tilespmem:s22+$0x90] =	vst v30;
	v5 =	vor.u32 v8, v5  }
0xbd: {  	v16 =	vld.idx.msk [tilespmem:v23+s11+$0x0], $0xffff;
	[tilespmem:s22+$0xA0] =	vst v31  }
0xbe: {  	v6 =	vld.idx.msk [tilespmem:v27+s11+$0x0], $0xffff;
	[tilespmem:s22+$0x160] =	vst v18  }
0xbf: {  	v58 =	vld.idx.msk [tilespmem:v25+s11+$0x0], $0xffff;
	[tilespmem:s22+$0x50] =	vst v2  }
0xc0: {  	v2 =	vld.idx.msk [tilespmem:v3+s11+$0x0], $0xffff;
	v3 =	vadd.s32 v10, v12;
	[tilespmem:s22+$0x40] =	vst v4  }
0xc1: {  	v55 =	vadd.s32 v10, v7;
	[tilespmem:s22+$0xB0] =	vst v15;
	v3 =	vor.u32 v13, v3;
	v5 =	vld.idx.msk [tilespmem:v5+s11+$0x0], $0xffff  }
0xc2: {  	v56 =	vld.idx.msk [tilespmem:v26+s11+$0x0], $0xffff;
	[tilespmem:s22+$0x100] =	vst v16;
	v4 =	vor.u32 v8, v55  }
0xc3: {  	v54 =	vld.idx.msk [tilespmem:v28+s11+$0x0], $0xffff;
	[tilespmem:s22+$0x170] =	vst v6  }
0xc4: {  	v1 =	vor.u32 v1, v14;
	v57 =	vld.idx.msk [tilespmem:v24+s11+$0x0], $0xffff;
	[tilespmem:s22+$0x110] =	vst v58  }
0xc5: {  	v59 =	vld.idx.msk [tilespmem:v19+s11+$0x0], $0xffff;
	[tilespmem:s22+$0xD0] =	vst v2  }
0xc6: {  	v2 =	vadd.s32 v11, v12;
	v3 =	vld.idx.msk [tilespmem:v3+s11+$0x0], $0xffff;
	[tilespmem:s22+$0xC0] =	vst v5  }
0xc7: {  	v60 =	vadd.s32 v11, v7;
	[tilespmem:s22+$0x120] =	vst v56;
	v2 =	vor.u32 v13, v2;
	v4 =	vld.idx.msk [tilespmem:v4+s11+$0x0], $0xffff  }
0xc8: {  	v62 =	vld.idx.msk [tilespmem:v21+s11+$0x0], $0xffff;
	[tilespmem:s22+$0x1E0] =	vst v54;
	v5 =	vor.u32 v8, v60  }
0xc9: {  	v1 =	vld.idx.msk [tilespmem:v1+s11+$0x0], $0xffff;
	[tilespmem:s22+$0x130] =	vst v57  }
0xca: {  	v61 =	vld.idx.msk [tilespmem:v22+s11+$0x0], $0xffff;
	[tilespmem:s22+$0x180] =	vst v59  }
0xcb: {  	v6 =	vld.idx.msk [tilespmem:v20+s11+$0x0], $0xffff;
	[tilespmem:s22+$0x150] =	vst v3  }
0xcc: {  	v2 =	vld.idx.msk [tilespmem:v2+s11+$0x0], $0xffff;
	[tilespmem:s22+$0x140] =	vst v4  }
0xcd: {  	s24 =	sshll.u32 s21, $0x12;
	s21 =	sadd.s32 $0x1, s21;
	[tilespmem:s22+$0x190] =	vst v62;
	v3 =	vld.idx.msk [tilespmem:v5+s11+$0x0], $0xffff  }
0xce: {  	p0 =	sne.s32 s21, s5;
	[tilespmem:s22+$0x1F0] =	vst v1  }
.Ltmp5:
0xcf: {  	[tilespmem:s22+$0x1A0] =	vst v61;
	(pc) =	sbr.rel @p0 .LBB2_7-.Ltmp5, $4  }
0xd0: {  	s24 =	sadd.s32 s24, s20;
	[tilespmem:s22+$0x1B0] =	vst v6  }
0xd1: {  	s24 =	sshrl.u32 s24, $0x3;
	[tilespmem:s22+$0x1D0] =	vst v2  }
0xd2: {  	s17 =	sadd.s32 $0x1, s17;
	s31 =	sadd.s32 s3, s24;
	[tilespmem:s22+$0x1C0] =	vst v3  }
0xd3: {  	[hbm4b:s31+s4] =	stream.linear.scatter [tilespmem:s23], [sflag:$0x1], $0x2000, $0x38;
	v63 =	vld [tilespmem:$0x0]  }
0xd4: {  	s18 =	sadd.s32 $0x1, s18  }
0xd5: {  	p0 =	sne.s32 s18, $0x32  }
.Ltmp6:
0xd6: {  	_ = 	snop;
	(pc) =	sbr.rel @p0 .LBB2_6-.Ltmp6, $2  }
0xd7: {  	_ =	sdelay $0x2  }
0xd8: {  	s16 =	sadd.s32 $0x400, s16;
	s15 =	sadd.s32 $0x1, s15  }
0xd9: {  	_ =	swait.ge [sflag:s12], $0x2000  }
0xda: {  	[sflag:s12] =	ssyncset.done $0x0  }
0xdb: {  	[sflag:s12] =	ssyncadd.s32 $0xFFFFE000  }
0xdc: {  	_ =	swait.ge [sflag:s12], $0x2000  }
0xdd: {  	[sflag:s12] =	ssyncset.done $0x0  }
0xde: {  	[sflag:s12] =	ssyncadd.s32 $0xFFFFE000  }
0xdf: {  	_ =	swait.ge [sflag:s12], $0x2000  }
0xe0: {  	[sflag:s12] =	ssyncset.done $0x0  }
0xe1: {  	s13 =	sadd.s32 $0x1, s13;
	[sflag:s12] =	ssyncadd.s32 $0xFFFFE000  }
0xe2: {  	p0 =	sne.s32 s13, s8;
	_ =	swait.ge [sflag:s12], $0x2000  }
.Ltmp7:
0xe3: {  	[sflag:s12] =	ssyncset.done $0x0;
	(pc) =	sbr.rel @p0 .LBB2_1-.Ltmp7, $4  }
0xe4: {  	[sflag:s12] =	ssyncadd.s32 $0xFFFFE000  }
0xe5: {  	_ =	swait.ge [sflag:s12], $0x2000  }
0xe6: {  	[sflag:s12] =	ssyncset.done $0x0  }
0xe7: {  	[sflag:s12] =	ssyncadd.s32 $0xFFFFE000  }
0xe8: {  	_ =	sfence.sel $0x180000  }
0xe9: {  	[bflag:$0x0] =	sbarrier.arrive $0xFFFF  }
0xea: {  	p0 =	sne.s32 s2, $0x0;
	_ =	strace $0x90000047  }
0xeb: {  	s0 =	sadd.s32 @!p0 $0x100000, s0;
	[bflag:$0x2] =	sbarrier.arrive $0xFFFF  }
0xec: {  	[sflag:s0] =	ssyncadd.tile.s32 @!p0 $0x1;
	_ =	shalt  }
.Lfunc_end2:
_tile_overlayer_lowered:
.L_overlay_start_2:
0xed: {  	(tag) =	ssettag $0x2  }
0xee: {  	s0 =	rddreg [dreg:$0x0];
	s2 =	stileid.u32  }
0xef: {  	s1 =	rddreg [dreg:$0x1];
	p0 =	sne.s32 s2, $0x0  }
0xf0: {  	s3 =	rddreg [dreg:$0x2];
	[bflag:$0x3] =	sbarrier.arrive $0xFFFF;
	s2 =	simm.s32 @!p0 $0x1C03  }
0xf1: {  	[timem:s3], [sflag:s2] =	dma.local @!p0 [hbm:s0], s1  }
0xf2: {  	s0 =	simm.s32 @!p0 $0x3  }
0xf3: {  	_ =	swait.ge @!p0 [sflag:s0], s1  }
0xf4: {  	s1 =	ssub.s32 @!p0 $0x0, s1;
	[sflag:s0] =	ssyncset.done @!p0 $0x0  }
0xf5: {  	[sflag:s0] =	ssyncadd.s32 @!p0 s1  }
0xf6: {  	[bflag:$0x3] =	sbarrier.arrive $0xFFFF  }
0xf7: {  	_ =	shalt  }

</sc_bundles>
